<compile_context>
chip_gen: v7x
topology: tpu7x:2x2x1
jax: 0.10.2.dev20260603
libtpu: 0.0.44.dev20260713+nightly
codegen_flags: <defaults>
</compile_context>

<pallas_src>
import jax
import jax.numpy as jnp
from jax import lax
from jax.experimental import pallas as pl
from jax.experimental.pallas import tpu as pltpu
from jax.experimental.pallas import tpu_sc as plsc

L = 16
NW = 32
NT = 4096 * 24
S = 128
CPW = NT // NW
GPW = CPW // L
SCHUNK = 4
NCH = S // SCHUNK
QSTG = 1024


def _sc_body(qT, u2, tsp, iv, out,
             qbuf, coef, tbuf, ibuf,
             ub0, ub1, ob0, ob1, us0, us1, os0, os1):
    nc = 2
    wid = lax.axis_index("s") * nc + lax.axis_index("c")
    base = wid * CPW

    pltpu.sync_copy(tsp, tbuf)
    pltpu.sync_copy(iv, ibuf)

    ivecs = [ibuf[j, :] for j in range(8)]
    t0 = tbuf[0, :]
    tvecs = [tbuf[j, :] for j in range(1, 8)]

    for p in range(CPW // QSTG):
        pltpu.sync_copy(qT.at[:, pl.ds(base + p * QSTG, QSTG)], qbuf)

        @pl.loop(0, QSTG // L)
        def _build(gg):
            sl = pl.ds(gg * L, L)
            osl = pl.ds(p * QSTG + gg * L, L)
            cum = qbuf[0, sl]
            first = cum
            svecs = []
            for j in range(8):
                nxt = jnp.maximum(cum, qbuf[j + 1, sl])
                svecs.append((nxt - cum) * ivecs[j])
                cum = nxt
            coef[0, osl] = first - svecs[0] * t0
            coef[1, osl] = svecs[0]
            for j in range(1, 8):
                coef[1 + j, osl] = svecs[j] - svecs[j - 1]

    def uslice(c):
        return u2.at[pl.ds(c * SCHUNK, SCHUNK), pl.ds(base, CPW)]

    def oslice(c):
        return out.at[pl.ds(c * SCHUNK, SCHUNK), pl.ds(base, CPW)]

    pltpu.async_copy(uslice(0), ub0, us0)
    pltpu.async_copy(uslice(1), ub1, us1)

    @pl.loop(0, NCH, step=2)
    def _chunks(c0):
        for b, (ub, ob, us, osm) in enumerate(
            ((ub0, ob0, us0, os0), (ub1, ob1, us1, os1))):
            c = c0 + b
            pltpu.make_async_copy(uslice(c), ub, us).wait()

            @pl.when(c >= 2)
            def _():
                pltpu.make_async_copy(ob, oslice(c), osm).wait()

            @pl.loop(0, GPW)
            def _grp(g):
                sl = pl.ds(g * L, L)
                cvecs = [coef[j, sl] for j in range(9)]
                for r in range(SCHUNK):
                    uv = ub[r, sl]
                    terms = [cvecs[0] + cvecs[1] * uv]
                    for j in range(1, 8):
                        terms.append(
                            cvecs[1 + j] * jnp.maximum(uv - tvecs[j - 1], 0.0))
                    while len(terms) > 1:
                        terms = [terms[i] + terms[i + 1]
                                 for i in range(0, len(terms) - 1, 2)] + (
                                     [terms[-1]] if len(terms) % 2 else [])
                    ob[r, sl] = jnp.maximum(terms[0], 0.0)

            @pl.when(c + 2 < NCH)
            def _():
                pltpu.async_copy(uslice(c + 2), ub, us)

            pltpu.async_copy(ob, oslice(c), osm)

    pltpu.make_async_copy(ob0, oslice(NCH - 2), os0).wait()
    pltpu.make_async_copy(ob1, oslice(NCH - 1), os1).wait()


@jax.jit
def kernel(q_curve, u, taus):
    qT = q_curve.reshape(NT, 9).T
    u2 = u.reshape(S, NT)
    dt = taus[1:] - taus[:-1]
    ivs = 1.0 / (dt + 1e-12)
    tsp = jnp.broadcast_to(taus[:8, None], (8, L)).astype(jnp.float32)
    ivb = jnp.broadcast_to(ivs[:, None], (8, L)).astype(jnp.float32)

    mesh = plsc.VectorSubcoreMesh(core_axis_name="c", subcore_axis_name="s")
    run = pl.kernel(
        _sc_body,
        out_type=jax.ShapeDtypeStruct((S, NT), jnp.float32),
        mesh=mesh,
        compiler_params=pltpu.CompilerParams(needs_layout_passes=False),
        scratch_types=[
            pltpu.VMEM((9, QSTG), jnp.float32),
            pltpu.VMEM((9, CPW), jnp.float32),
            pltpu.VMEM((8, L), jnp.float32),
            pltpu.VMEM((8, L), jnp.float32),
            pltpu.VMEM((SCHUNK, CPW), jnp.float32),
            pltpu.VMEM((SCHUNK, CPW), jnp.float32),
            pltpu.VMEM((SCHUNK, CPW), jnp.float32),
            pltpu.VMEM((SCHUNK, CPW), jnp.float32),
            pltpu.SemaphoreType.DMA,
            pltpu.SemaphoreType.DMA,
            pltpu.SemaphoreType.DMA,
            pltpu.SemaphoreType.DMA,
        ],
    )
    scen = run(qT, u2, tsp, ivb)
    return scen.reshape(S, 4096, 24)

# --- scband reference (transcript-rebuilt; emitter-appended) ---
"""Pipeline reference for scband-dfl-model-nonparametric-multi-node-46926812676849 (READ-ONLY COPY).

The authoritative reference and input builder live on the scoring server;
editing this copy changes nothing except your own understanding.
"""

import jax, jax.numpy as jnp
import numpy as np

QUANTILES = [0.05, 0.1, 0.2, 0.3, 0.5, 0.7, 0.8, 0.9, 0.95]


def setup_inputs(seed: int = 0) -> dict:
    key = jax.random.key(seed)
    k1, k2 = jax.random.split(key)
    # q_curve: quantile forecasts [N, T, Q] (N = nodes*batch flattened to production scale)
    q_curve = jax.random.normal(k1, (4096, 24, 9), dtype=jnp.float32)
    # u: uniform draws used by the inverse-CDF sampler, [S, N, T]
    u = jax.random.uniform(k2, (128, 4096, 24), dtype=jnp.float32)
    # taus: registered buffer taus_Q built from the `quantiles` init arg
    taus = jnp.asarray(QUANTILES, dtype=jnp.float32)
    return {"q_curve": q_curve, "u": u, "taus": taus}


def reference(q_curve, u, taus):
    # Faithful JAX port of sample_from_quantiles_linear (the sampling core of
    # DFL_model_nonparametric_MultiNode._sample_scenarios_from_q).
    Q = taus.shape[0]
    # sort quantile levels ascending and reorder the quantile curves to match
    order = jnp.argsort(taus)
    taus_s = taus[order]
    q = jnp.take(q_curve, order, axis=-1)
    # enforce monotone non-decreasing quantile curves (torch.cummax)
    q = jax.lax.cummax(q, axis=2)
    # torch.bucketize(u, taus) with right=False == searchsorted side='left'
    idx_raw = jnp.searchsorted(taus_s, u, side='left')
    idx_left = jnp.clip(idx_raw - 1, 0, Q - 2)
    idx_right = idx_left + 1

    # gather quantile values at the bracketing nodes:
    # q0[s,n,t] = q[n,t,idx_left[s,n,t]] (matches torch.gather on expanded q)
    def gather_one(idx):
        return jnp.take_along_axis(q, idx[..., None], axis=-1)[..., 0]

    q0 = jax.vmap(gather_one)(idx_left)
    q1 = jax.vmap(gather_one)(idx_right)
    t0 = taus_s[idx_left]
    t1 = taus_s[idx_right]
    # linear interpolation / extrapolation between quantile nodes
    w = (u - t0) / (t1 - t0 + 1e-12)
    scen = q0 + w * (q1 - q0)
    # clamp_min = 0.0
    scen = jnp.clip(scen, 0.0, None)
    return scen

if __name__ == "__main__":
    import jax
    _d = setup_inputs()
    print(jax.jit(kernel)(*tuple(_d.values())))

</pallas_src>

<mosaic_0001>
#map = affine_map<(d0, d1) -> (0, 0)>
module attributes {stable_mosaic.version = 14 : i64} {
  func.func @_sc_body(%arg0: i32, %arg1: i32, %arg2: memref<9x98304xf32, #tpu.memory_space<hbm>>, %arg3: memref<128x98304xf32, #tpu.memory_space<hbm>>, %arg4: memref<8x16xf32, #tpu.memory_space<hbm>>, %arg5: memref<8x16xf32, #tpu.memory_space<hbm>>, %arg6: memref<128x98304xf32, #tpu.memory_space<hbm>>, %arg7: memref<9x1024xf32, #tpu.memory_space<vmem>>, %arg8: memref<9x3072xf32, #tpu.memory_space<vmem>>, %arg9: memref<8x16xf32, #tpu.memory_space<vmem>>, %arg10: memref<8x16xf32, #tpu.memory_space<vmem>>, %arg11: memref<4x3072xf32, #tpu.memory_space<vmem>>, %arg12: memref<4x3072xf32, #tpu.memory_space<vmem>>, %arg13: memref<4x3072xf32, #tpu.memory_space<vmem>>, %arg14: memref<4x3072xf32, #tpu.memory_space<vmem>>, %arg15: memref<!tpu.dma_semaphore, #tpu.memory_space<semaphore_mem>>, %arg16: memref<!tpu.dma_semaphore, #tpu.memory_space<semaphore_mem>>, %arg17: memref<!tpu.dma_semaphore, #tpu.memory_space<semaphore_mem>>, %arg18: memref<!tpu.dma_semaphore, #tpu.memory_space<semaphore_mem>>) attributes {dimension_semantics = [#tpu.dimension_semantics<core_parallel>, #tpu.dimension_semantics<subcore_parallel>], iteration_bounds = array<i64: 2, 16>, scalar_prefetch = 0 : i64, scratch_operands = 12 : i64, tpu.core_type = #tpu.core_type<sc_vector_subcore>, window_params = [{transform_indices = #map}, {transform_indices = #map}, {transform_indices = #map}, {transform_indices = #map}, {transform_indices = #map}]} {
    %mul3A = arith.constant 2 : i32
    %mul3A_0 = arith.muli %arg1, %mul3A : i32
    %add3A = arith.addi %mul3A_0, %arg0 : i32
    %mul3A_1 = arith.constant 3072 : i32
    %mul3A_2 = arith.muli %add3A, %mul3A_1 : i32
    "tpu.region"() ({
      %run_scoped3A = tpu.sem_alloc : memref<!tpu.dma_semaphore, #tpu.memory_space<semaphore_mem>>
      tpu.enqueue_dma source(%arg4 : memref<8x16xf32, #tpu.memory_space<hbm>>) target(%arg9 : memref<8x16xf32, #tpu.memory_space<vmem>>) target_semaphore(%run_scoped3A : memref<!tpu.dma_semaphore, #tpu.memory_space<semaphore_mem>>)
      tpu.wait_dma2 semaphore(%run_scoped3A : memref<!tpu.dma_semaphore, #tpu.memory_space<semaphore_mem>>) src(%arg4 : memref<8x16xf32, #tpu.memory_space<hbm>>) dst(%arg9 : memref<8x16xf32, #tpu.memory_space<vmem>>)
      tpu.yield
    }) : () -> ()
    "tpu.region"() ({
      %run_scoped3A = tpu.sem_alloc : memref<!tpu.dma_semaphore, #tpu.memory_space<semaphore_mem>>
      tpu.enqueue_dma source(%arg5 : memref<8x16xf32, #tpu.memory_space<hbm>>) target(%arg10 : memref<8x16xf32, #tpu.memory_space<vmem>>) target_semaphore(%run_scoped3A : memref<!tpu.dma_semaphore, #tpu.memory_space<semaphore_mem>>)
      tpu.wait_dma2 semaphore(%run_scoped3A : memref<!tpu.dma_semaphore, #tpu.memory_space<semaphore_mem>>) src(%arg5 : memref<8x16xf32, #tpu.memory_space<hbm>>) dst(%arg10 : memref<8x16xf32, #tpu.memory_space<vmem>>)
      tpu.yield
    }) : () -> ()
    %get3A = arith.constant 0 : i32
    %get3A_3 = arith.index_cast %get3A : i32 to index
    %get3A_4 = arith.constant 0 : index
    %get3A_5 = tpu.vector_load %arg10[%get3A_3, %get3A_4] {strides = array<i32>} : memref<8x16xf32, #tpu.memory_space<vmem>>, vector<16xf32>,
    %get3A_6 = arith.constant 1 : i32
    %get3A_7 = arith.index_cast %get3A_6 : i32 to index
    %get3A_8 = arith.constant 0 : index
    %get3A_9 = tpu.vector_load %arg10[%get3A_7, %get3A_8] {strides = array<i32>} : memref<8x16xf32, #tpu.memory_space<vmem>>, vector<16xf32>,
    %get3A_10 = arith.constant 2 : i32
    %get3A_11 = arith.index_cast %get3A_10 : i32 to index
    %get3A_12 = arith.constant 0 : index
    %get3A_13 = tpu.vector_load %arg10[%get3A_11, %get3A_12] {strides = array<i32>} : memref<8x16xf32, #tpu.memory_space<vmem>>, vector<16xf32>,
    %get3A_14 = arith.constant 3 : i32
    %get3A_15 = arith.index_cast %get3A_14 : i32 to index
    %get3A_16 = arith.constant 0 : index
    %get3A_17 = tpu.vector_load %arg10[%get3A_15, %get3A_16] {strides = array<i32>} : memref<8x16xf32, #tpu.memory_space<vmem>>, vector<16xf32>,
    %get3A_18 = arith.constant 4 : i32
    %get3A_19 = arith.index_cast %get3A_18 : i32 to index
    %get3A_20 = arith.constant 0 : index
    %get3A_21 = tpu.vector_load %arg10[%get3A_19, %get3A_20] {strides = array<i32>} : memref<8x16xf32, #tpu.memory_space<vmem>>, vector<16xf32>,
    %get3A_22 = arith.constant 5 : i32
    %get3A_23 = arith.index_cast %get3A_22 : i32 to index
    %get3A_24 = arith.constant 0 : index
    %get3A_25 = tpu.vector_load %arg10[%get3A_23, %get3A_24] {strides = array<i32>} : memref<8x16xf32, #tpu.memory_space<vmem>>, vector<16xf32>,
    %get3A_26 = arith.constant 6 : i32
    %get3A_27 = arith.index_cast %get3A_26 : i32 to index
    %get3A_28 = arith.constant 0 : index
    %get3A_29 = tpu.vector_load %arg10[%get3A_27, %get3A_28] {strides = array<i32>} : memref<8x16xf32, #tpu.memory_space<vmem>>, vector<16xf32>,
    %get3A_30 = arith.constant 7 : i32
    %get3A_31 = arith.index_cast %get3A_30 : i32 to index
    %get3A_32 = arith.constant 0 : index
    %get3A_33 = tpu.vector_load %arg10[%get3A_31, %get3A_32] {strides = array<i32>} : memref<8x16xf32, #tpu.memory_space<vmem>>, vector<16xf32>,
    %get3A_34 = arith.constant 0 : i32
    %get3A_35 = arith.index_cast %get3A_34 : i32 to index
    %get3A_36 = arith.constant 0 : index
    %get3A_37 = tpu.vector_load %arg9[%get3A_35, %get3A_36] {strides = array<i32>} : memref<8x16xf32, #tpu.memory_space<vmem>>, vector<16xf32>,
    %get3A_38 = arith.constant 1 : i32
    %get3A_39 = arith.index_cast %get3A_38 : i32 to index
    %get3A_40 = arith.constant 0 : index
    %get3A_41 = tpu.vector_load %arg9[%get3A_39, %get3A_40] {strides = array<i32>} : memref<8x16xf32, #tpu.memory_space<vmem>>, vector<16xf32>,
    %get3A_42 = arith.constant 2 : i32
    %get3A_43 = arith.index_cast %get3A_42 : i32 to index
    %get3A_44 = arith.constant 0 : index
    %get3A_45 = tpu.vector_load %arg9[%get3A_43, %get3A_44] {strides = array<i32>} : memref<8x16xf32, #tpu.memory_space<vmem>>, vector<16xf32>,
    %get3A_46 = arith.constant 3 : i32
    %get3A_47 = arith.index_cast %get3A_46 : i32 to index
    %get3A_48 = arith.constant 0 : index
    %get3A_49 = tpu.vector_load %arg9[%get3A_47, %get3A_48] {strides = array<i32>} : memref<8x16xf32, #tpu.memory_space<vmem>>, vector<16xf32>,
    %get3A_50 = arith.constant 4 : i32
    %get3A_51 = arith.index_cast %get3A_50 : i32 to index
    %get3A_52 = arith.constant 0 : index
    %get3A_53 = tpu.vector_load %arg9[%get3A_51, %get3A_52] {strides = array<i32>} : memref<8x16xf32, #tpu.memory_space<vmem>>, vector<16xf32>,
    %get3A_54 = arith.constant 5 : i32
    %get3A_55 = arith.index_cast %get3A_54 : i32 to index
    %get3A_56 = arith.constant 0 : index
    %get3A_57 = tpu.vector_load %arg9[%get3A_55, %get3A_56] {strides = array<i32>} : memref<8x16xf32, #tpu.memory_space<vmem>>, vector<16xf32>,
    %get3A_58 = arith.constant 6 : i32
    %get3A_59 = arith.index_cast %get3A_58 : i32 to index
    %get3A_60 = arith.constant 0 : index
    %get3A_61 = tpu.vector_load %arg9[%get3A_59, %get3A_60] {strides = array<i32>} : memref<8x16xf32, #tpu.memory_space<vmem>>, vector<16xf32>,
    %get3A_62 = arith.constant 7 : i32
    %get3A_63 = arith.index_cast %get3A_62 : i32 to index
    %get3A_64 = arith.constant 0 : index
    %get3A_65 = tpu.vector_load %arg9[%get3A_63, %get3A_64] {strides = array<i32>} : memref<8x16xf32, #tpu.memory_space<vmem>>, vector<16xf32>,
    %add3A_66 = arith.constant 0 : i32
    %add3A_67 = arith.addi %mul3A_2, %add3A_66 : i32
    "tpu.region"() ({
      %run_scoped3A = tpu.sem_alloc : memref<!tpu.dma_semaphore, #tpu.memory_space<semaphore_mem>>
      %dma_start3A_105 = arith.constant 0 : i32
      %dma_start3A_106 = tpu.memref_slice %arg2[%dma_start3A_105, %add3A_67] : memref<9x98304xf32, #tpu.memory_space<hbm>> -> memref<9x1024xf32, #tpu.memory_space<hbm>>
      %dma_start3A_107 = arith.constant 0 : i32
      %dma_start3A_108 = tpu.memref_slice %arg2[%dma_start3A_107, %add3A_67] : memref<9x98304xf32, #tpu.memory_space<hbm>> -> memref<9x1024xf32, #tpu.memory_space<hbm>>
      tpu.enqueue_dma source(%dma_start3A_108 : memref<9x1024xf32, #tpu.memory_space<hbm>>) target(%arg7 : memref<9x1024xf32, #tpu.memory_space<vmem>>) target_semaphore(%run_scoped3A : memref<!tpu.dma_semaphore, #tpu.memory_space<semaphore_mem>>)
      %dma_wait3A_109 = arith.constant 0 : i32
      %dma_wait3A_110 = tpu.memref_slice %arg2[%dma_wait3A_109, %add3A_67] : memref<9x98304xf32, #tpu.memory_space<hbm>> -> memref<9x1024xf32, #tpu.memory_space<hbm>>
      %dma_wait3A_111 = arith.constant 0 : i32
      %dma_wait3A_112 = tpu.memref_slice %arg2[%dma_wait3A_111, %add3A_67] : memref<9x98304xf32, #tpu.memory_space<hbm>> -> memref<9x1024xf32, #tpu.memory_space<hbm>>
      tpu.wait_dma2 semaphore(%run_scoped3A : memref<!tpu.dma_semaphore, #tpu.memory_space<semaphore_mem>>) src(%dma_wait3A_112 : memref<9x1024xf32, #tpu.memory_space<hbm>>) dst(%arg7 : memref<9x1024xf32, #tpu.memory_space<vmem>>)
      tpu.yield
    }) : () -> ()
    %scan3A = arith.constant 0 : i32
    %scan3A_68 = arith.constant 64 : i32
    %scan3A_69 = arith.addi %scan3A, %scan3A_68 : i32
    %scan3A_70 = arith.constant 1 : i32
    scf.for %scan3A_105 = %scan3A to %scan3A_69 step %scan3A_70  : i32 {
      %mul3A_106 = arith.constant 1 : i32
      %mul3A_107 = arith.muli %scan3A_105, %mul3A_106 : i32
      %add3A_108 = arith.constant 0 : i32
      %add3A_109 = arith.addi %add3A_108, %mul3A_107 : i32
      %mul3A_110 = arith.constant 16 : i32
      %mul3A_111 = arith.muli %add3A_109, %mul3A_110 : i32
      %mul3A_112 = arith.constant 16 : i32
      %mul3A_113 = arith.muli %add3A_109, %mul3A_112 : i32
      %add3A_114 = arith.constant 0 : i32
      %add3A_115 = arith.addi %add3A_114, %mul3A_113 : i32
      %get3A_116 = arith.constant 0 : i32
      %get3A_117 = arith.index_cast %get3A_116 : i32 to index
      %get3A_118 = arith.index_cast %mul3A_111 : i32 to index
      %get3A_119 = tpu.vector_load %arg7[%get3A_117, %get3A_118] {strides = array<i32>} : memref<9x1024xf32, #tpu.memory_space<vmem>>, vector<16xf32>,
      %get3A_120 = arith.constant 1 : i32
      %get3A_121 = arith.index_cast %get3A_120 : i32 to index
      %get3A_122 = arith.index_cast %mul3A_111 : i32 to index
      %get3A_123 = tpu.vector_load %arg7[%get3A_121, %get3A_122] {strides = array<i32>} : memref<9x1024xf32, #tpu.memory_space<vmem>>, vector<16xf32>,
      %max3A = arith.maximumf %get3A_119, %get3A_123 : vector<16xf32>
      %sub3A = arith.subf %max3A, %get3A_119 : vector<16xf32>
      %mul3A_124 = arith.mulf %sub3A, %get3A_5 : vector<16xf32>
      %get3A_125 = arith.constant 2 : i32
      %get3A_126 = arith.index_cast %get3A_125 : i32 to index
      %get3A_127 = arith.index_cast %mul3A_111 : i32 to index
      %get3A_128 = tpu.vector_load %arg7[%get3A_126, %get3A_127] {strides = array<i32>} : memref<9x1024xf32, #tpu.memory_space<vmem>>, vector<16xf32>,
      %max3A_129 = arith.maximumf %max3A, %get3A_128 : vector<16xf32>
      %sub3A_130 = arith.subf %max3A_129, %max3A : vector<16xf32>
      %mul3A_131 = arith.mulf %sub3A_130, %get3A_9 : vector<16xf32>
      %get3A_132 = arith.constant 3 : i32
      %get3A_133 = arith.index_cast %get3A_132 : i32 to index
      %get3A_134 = arith.index_cast %mul3A_111 : i32 to index
      %get3A_135 = tpu.vector_load %arg7[%get3A_133, %get3A_134] {strides = array<i32>} : memref<9x1024xf32, #tpu.memory_space<vmem>>, vector<16xf32>,
      %max3A_136 = arith.maximumf %max3A_129, %get3A_135 : vector<16xf32>
      %sub3A_137 = arith.subf %max3A_136, %max3A_129 : vector<16xf32>
      %mul3A_138 = arith.mulf %sub3A_137, %get3A_13 : vector<16xf32>
      %get3A_139 = arith.constant 4 : i32
      %get3A_140 = arith.index_cast %get3A_139 : i32 to index
      %get3A_141 = arith.index_cast %mul3A_111 : i32 to index
      %get3A_142 = tpu.vector_load %arg7[%get3A_140, %get3A_141] {strides = array<i32>} : memref<9x1024xf32, #tpu.memory_space<vmem>>, vector<16xf32>,
      %max3A_143 = arith.maximumf %max3A_136, %get3A_142 : vector<16xf32>
      %sub3A_144 = arith.subf %max3A_143, %max3A_136 : vector<16xf32>
      %mul3A_145 = arith.mulf %sub3A_144, %get3A_17 : vector<16xf32>
      %get3A_146 = arith.constant 5 : i32
      %get3A_147 = arith.index_cast %get3A_146 : i32 to index
      %get3A_148 = arith.index_cast %mul3A_111 : i32 to index
      %get3A_149 = tpu.vector_load %arg7[%get3A_147, %get3A_148] {strides = array<i32>} : memref<9x1024xf32, #tpu.memory_space<vmem>>, vector<16xf32>,
      %max3A_150 = arith.maximumf %max3A_143, %get3A_149 : vector<16xf32>
      %sub3A_151 = arith.subf %max3A_150, %max3A_143 : vector<16xf32>
      %mul3A_152 = arith.mulf %sub3A_151, %get3A_21 : vector<16xf32>
      %get3A_153 = arith.constant 6 : i32
      %get3A_154 = arith.index_cast %get3A_153 : i32 to index
      %get3A_155 = arith.index_cast %mul3A_111 : i32 to index
      %get3A_156 = tpu.vector_load %arg7[%get3A_154, %get3A_155] {strides = array<i32>} : memref<9x1024xf32, #tpu.memory_space<vmem>>, vector<16xf32>,
      %max3A_157 = arith.maximumf %max3A_150, %get3A_156 : vector<16xf32>
      %sub3A_158 = arith.subf %max3A_157, %max3A_150 : vector<16xf32>
      %mul3A_159 = arith.mulf %sub3A_158, %get3A_25 : vector<16xf32>
      %get3A_160 = arith.constant 7 : i32
      %get3A_161 = arith.index_cast %get3A_160 : i32 to index
      %get3A_162 = arith.index_cast %mul3A_111 : i32 to index
      %get3A_163 = tpu.vector_load %arg7[%get3A_161, %get3A_162] {strides = array<i32>} : memref<9x1024xf32, #tpu.memory_space<vmem>>, vector<16xf32>,
      %max3A_164 = arith.maximumf %max3A_157, %get3A_163 : vector<16xf32>
      %sub3A_165 = arith.subf %max3A_164, %max3A_157 : vector<16xf32>
      %mul3A_166 = arith.mulf %sub3A_165, %get3A_29 : vector<16xf32>
      %get3A_167 = arith.constant 8 : i32
      %get3A_168 = arith.index_cast %get3A_167 : i32 to index
      %get3A_169 = arith.index_cast %mul3A_111 : i32 to index
      %get3A_170 = tpu.vector_load %arg7[%get3A_168, %get3A_169] {strides = array<i32>} : memref<9x1024xf32, #tpu.memory_space<vmem>>, vector<16xf32>,
      %max3A_171 = arith.maximumf %max3A_164, %get3A_170 : vector<16xf32>
      %sub3A_172 = arith.subf %max3A_171, %max3A_164 : vector<16xf32>
      %mul3A_173 = arith.mulf %sub3A_172, %get3A_33 : vector<16xf32>
      %mul3A_174 = arith.mulf %mul3A_124, %get3A_37 : vector<16xf32>
      %sub3A_175 = arith.subf %get3A_119, %mul3A_174 : vector<16xf32>
      %swap3A = arith.constant 0 : i32
      %swap3A_176 = arith.index_cast %swap3A : i32 to index
      %swap3A_177 = arith.index_cast %add3A_115 : i32 to index
      %swap3A_178 = tpu.vector_load %arg8[%swap3A_176, %swap3A_177] {strides = array<i32>} : memref<9x3072xf32, #tpu.memory_space<vmem>>, vector<16xf32>,
      tpu.vector_store %arg8[%swap3A_176, %swap3A_177], %sub3A_175 {strides = array<i32>} : memref<9x3072xf32, #tpu.memory_space<vmem>>, vector<16xf32>,
      %swap3A_179 = arith.constant 1 : i32
      %swap3A_180 = arith.index_cast %swap3A_179 : i32 to index
      %swap3A_181 = arith.index_cast %add3A_115 : i32 to index
      %swap3A_182 = tpu.vector_load %arg8[%swap3A_180, %swap3A_181] {strides = array<i32>} : memref<9x3072xf32, #tpu.memory_space<vmem>>, vector<16xf32>,
      tpu.vector_store %arg8[%swap3A_180, %swap3A_181], %mul3A_124 {strides = array<i32>} : memref<9x3072xf32, #tpu.memory_space<vmem>>, vector<16xf32>,
      %sub3A_183 = arith.subf %mul3A_131, %mul3A_124 : vector<16xf32>
      %swap3A_184 = arith.constant 2 : i32
      %swap3A_185 = arith.index_cast %swap3A_184 : i32 to index
      %swap3A_186 = arith.index_cast %add3A_115 : i32 to index
      %swap3A_187 = tpu.vector_load %arg8[%swap3A_185, %swap3A_186] {strides = array<i32>} : memref<9x3072xf32, #tpu.memory_space<vmem>>, vector<16xf32>,
      tpu.vector_store %arg8[%swap3A_185, %swap3A_186], %sub3A_183 {strides = array<i32>} : memref<9x3072xf32, #tpu.memory_space<vmem>>, vector<16xf32>,
      %sub3A_188 = arith.subf %mul3A_138, %mul3A_131 : vector<16xf32>
      %swap3A_189 = arith.constant 3 : i32
      %swap3A_190 = arith.index_cast %swap3A_189 : i32 to index
      %swap3A_191 = arith.index_cast %add3A_115 : i32 to index
      %swap3A_192 = tpu.vector_load %arg8[%swap3A_190, %swap3A_191] {strides = array<i32>} : memref<9x3072xf32, #tpu.memory_space<vmem>>, vector<16xf32>,
      tpu.vector_store %arg8[%swap3A_190, %swap3A_191], %sub3A_188 {strides = array<i32>} : memref<9x3072xf32, #tpu.memory_space<vmem>>, vector<16xf32>,
      %sub3A_193 = arith.subf %mul3A_145, %mul3A_138 : vector<16xf32>
      %swap3A_194 = arith.constant 4 : i32
      %swap3A_195 = arith.index_cast %swap3A_194 : i32 to index
      %swap3A_196 = arith.index_cast %add3A_115 : i32 to index
      %swap3A_197 = tpu.vector_load %arg8[%swap3A_195, %swap3A_196] {strides = array<i32>} : memref<9x3072xf32, #tpu.memory_space<vmem>>, vector<16xf32>,
      tpu.vector_store %arg8[%swap3A_195, %swap3A_196], %sub3A_193 {strides = array<i32>} : memref<9x3072xf32, #tpu.memory_space<vmem>>, vector<16xf32>,
      %sub3A_198 = arith.subf %mul3A_152, %mul3A_145 : vector<16xf32>
      %swap3A_199 = arith.constant 5 : i32
      %swap3A_200 = arith.index_cast %swap3A_199 : i32 to index
      %swap3A_201 = arith.index_cast %add3A_115 : i32 to index
      %swap3A_202 = tpu.vector_load %arg8[%swap3A_200, %swap3A_201] {strides = array<i32>} : memref<9x3072xf32, #tpu.memory_space<vmem>>, vector<16xf32>,
      tpu.vector_store %arg8[%swap3A_200, %swap3A_201], %sub3A_198 {strides = array<i32>} : memref<9x3072xf32, #tpu.memory_space<vmem>>, vector<16xf32>,
      %sub3A_203 = arith.subf %mul3A_159, %mul3A_152 : vector<16xf32>
      %swap3A_204 = arith.constant 6 : i32
      %swap3A_205 = arith.index_cast %swap3A_204 : i32 to index
      %swap3A_206 = arith.index_cast %add3A_115 : i32 to index
      %swap3A_207 = tpu.vector_load %arg8[%swap3A_205, %swap3A_206] {strides = array<i32>} : memref<9x3072xf32, #tpu.memory_space<vmem>>, vector<16xf32>,
      tpu.vector_store %arg8[%swap3A_205, %swap3A_206], %sub3A_203 {strides = array<i32>} : memref<9x3072xf32, #tpu.memory_space<vmem>>, vector<16xf32>,
      %sub3A_208 = arith.subf %mul3A_166, %mul3A_159 : vector<16xf32>
      %swap3A_209 = arith.constant 7 : i32
      %swap3A_210 = arith.index_cast %swap3A_209 : i32 to index
      %swap3A_211 = arith.index_cast %add3A_115 : i32 to index
      %swap3A_212 = tpu.vector_load %arg8[%swap3A_210, %swap3A_211] {strides = array<i32>} : memref<9x3072xf32, #tpu.memory_space<vmem>>, vector<16xf32>,
      tpu.vector_store %arg8[%swap3A_210, %swap3A_211], %sub3A_208 {strides = array<i32>} : memref<9x3072xf32, #tpu.memory_space<vmem>>, vector<16xf32>,
      %sub3A_213 = arith.subf %mul3A_173, %mul3A_166 : vector<16xf32>
      %swap3A_214 = arith.constant 8 : i32
      %swap3A_215 = arith.index_cast %swap3A_214 : i32 to index
      %swap3A_216 = arith.index_cast %add3A_115 : i32 to index
      %swap3A_217 = tpu.vector_load %arg8[%swap3A_215, %swap3A_216] {strides = array<i32>} : memref<9x3072xf32, #tpu.memory_space<vmem>>, vector<16xf32>,
      tpu.vector_store %arg8[%swap3A_215, %swap3A_216], %sub3A_213 {strides = array<i32>} : memref<9x3072xf32, #tpu.memory_space<vmem>>, vector<16xf32>,
    }
    %scan3A_71 = arith.constant 64 : i32
    %add3A_72 = arith.constant 1024 : i32
    %add3A_73 = arith.addi %mul3A_2, %add3A_72 : i32
    "tpu.region"() ({
      %run_scoped3A = tpu.sem_alloc : memref<!tpu.dma_semaphore, #tpu.memory_space<semaphore_mem>>
      %dma_start3A_105 = arith.constant 0 : i32
      %dma_start3A_106 = tpu.memref_slice %arg2[%dma_start3A_105, %add3A_73] : memref<9x98304xf32, #tpu.memory_space<hbm>> -> memref<9x1024xf32, #tpu.memory_space<hbm>>
      %dma_start3A_107 = arith.constant 0 : i32
      %dma_start3A_108 = tpu.memref_slice %arg2[%dma_start3A_107, %add3A_73] : memref<9x98304xf32, #tpu.memory_space<hbm>> -> memref<9x1024xf32, #tpu.memory_space<hbm>>
      tpu.enqueue_dma source(%dma_start3A_108 : memref<9x1024xf32, #tpu.memory_space<hbm>>) target(%arg7 : memref<9x1024xf32, #tpu.memory_space<vmem>>) target_semaphore(%run_scoped3A : memref<!tpu.dma_semaphore, #tpu.memory_space<semaphore_mem>>)
      %dma_wait3A_109 = arith.constant 0 : i32
      %dma_wait3A_110 = tpu.memref_slice %arg2[%dma_wait3A_109, %add3A_73] : memref<9x98304xf32, #tpu.memory_space<hbm>> -> memref<9x1024xf32, #tpu.memory_space<hbm>>
      %dma_wait3A_111 = arith.constant 0 : i32
      %dma_wait3A_112 = tpu.memref_slice %arg2[%dma_wait3A_111, %add3A_73] : memref<9x98304xf32, #tpu.memory_space<hbm>> -> memref<9x1024xf32, #tpu.memory_space<hbm>>
      tpu.wait_dma2 semaphore(%run_scoped3A : memref<!tpu.dma_semaphore, #tpu.memory_space<semaphore_mem>>) src(%dma_wait3A_112 : memref<9x1024xf32, #tpu.memory_space<hbm>>) dst(%arg7 : memref<9x1024xf32, #tpu.memory_space<vmem>>)
      tpu.yield
    }) : () -> ()
    %scan3A_74 = arith.constant 0 : i32
    %scan3A_75 = arith.constant 64 : i32
    %scan3A_76 = arith.addi %scan3A_74, %scan3A_75 : i32
    %scan3A_77 = arith.constant 1 : i32
    scf.for %scan3A_105 = %scan3A_74 to %scan3A_76 step %scan3A_77  : i32 {
      %mul3A_106 = arith.constant 1 : i32
      %mul3A_107 = arith.muli %scan3A_105, %mul3A_106 : i32
      %add3A_108 = arith.constant 0 : i32
      %add3A_109 = arith.addi %add3A_108, %mul3A_107 : i32
      %mul3A_110 = arith.constant 16 : i32
      %mul3A_111 = arith.muli %add3A_109, %mul3A_110 : i32
      %mul3A_112 = arith.constant 16 : i32
      %mul3A_113 = arith.muli %add3A_109, %mul3A_112 : i32
      %add3A_114 = arith.constant 1024 : i32
      %add3A_115 = arith.addi %add3A_114, %mul3A_113 : i32
      %get3A_116 = arith.constant 0 : i32
      %get3A_117 = arith.index_cast %get3A_116 : i32 to index
      %get3A_118 = arith.index_cast %mul3A_111 : i32 to index
      %get3A_119 = tpu.vector_load %arg7[%get3A_117, %get3A_118] {strides = array<i32>} : memref<9x1024xf32, #tpu.memory_space<vmem>>, vector<16xf32>,
      %get3A_120 = arith.constant 1 : i32
      %get3A_121 = arith.index_cast %get3A_120 : i32 to index
      %get3A_122 = arith.index_cast %mul3A_111 : i32 to index
      %get3A_123 = tpu.vector_load %arg7[%get3A_121, %get3A_122] {strides = array<i32>} : memref<9x1024xf32, #tpu.memory_space<vmem>>, vector<16xf32>,
      %max3A = arith.maximumf %get3A_119, %get3A_123 : vector<16xf32>
      %sub3A = arith.subf %max3A, %get3A_119 : vector<16xf32>
      %mul3A_124 = arith.mulf %sub3A, %get3A_5 : vector<16xf32>
      %get3A_125 = arith.constant 2 : i32
      %get3A_126 = arith.index_cast %get3A_125 : i32 to index
      %get3A_127 = arith.index_cast %mul3A_111 : i32 to index
      %get3A_128 = tpu.vector_load %arg7[%get3A_126, %get3A_127] {strides = array<i32>} : memref<9x1024xf32, #tpu.memory_space<vmem>>, vector<16xf32>,
      %max3A_129 = arith.maximumf %max3A, %get3A_128 : vector<16xf32>
      %sub3A_130 = arith.subf %max3A_129, %max3A : vector<16xf32>
      %mul3A_131 = arith.mulf %sub3A_130, %get3A_9 : vector<16xf32>
      %get3A_132 = arith.constant 3 : i32
      %get3A_133 = arith.index_cast %get3A_132 : i32 to index
      %get3A_134 = arith.index_cast %mul3A_111 : i32 to index
      %get3A_135 = tpu.vector_load %arg7[%get3A_133, %get3A_134] {strides = array<i32>} : memref<9x1024xf32, #tpu.memory_space<vmem>>, vector<16xf32>,
      %max3A_136 = arith.maximumf %max3A_129, %get3A_135 : vector<16xf32>
      %sub3A_137 = arith.subf %max3A_136, %max3A_129 : vector<16xf32>
      %mul3A_138 = arith.mulf %sub3A_137, %get3A_13 : vector<16xf32>
      %get3A_139 = arith.constant 4 : i32
      %get3A_140 = arith.index_cast %get3A_139 : i32 to index
      %get3A_141 = arith.index_cast %mul3A_111 : i32 to index
      %get3A_142 = tpu.vector_load %arg7[%get3A_140, %get3A_141] {strides = array<i32>} : memref<9x1024xf32, #tpu.memory_space<vmem>>, vector<16xf32>,
      %max3A_143 = arith.maximumf %max3A_136, %get3A_142 : vector<16xf32>
      %sub3A_144 = arith.subf %max3A_143, %max3A_136 : vector<16xf32>
      %mul3A_145 = arith.mulf %sub3A_144, %get3A_17 : vector<16xf32>
      %get3A_146 = arith.constant 5 : i32
      %get3A_147 = arith.index_cast %get3A_146 : i32 to index
      %get3A_148 = arith.index_cast %mul3A_111 : i32 to index
      %get3A_149 = tpu.vector_load %arg7[%get3A_147, %get3A_148] {strides = array<i32>} : memref<9x1024xf32, #tpu.memory_space<vmem>>, vector<16xf32>,
      %max3A_150 = arith.maximumf %max3A_143, %get3A_149 : vector<16xf32>
      %sub3A_151 = arith.subf %max3A_150, %max3A_143 : vector<16xf32>
      %mul3A_152 = arith.mulf %sub3A_151, %get3A_21 : vector<16xf32>
      %get3A_153 = arith.constant 6 : i32
      %get3A_154 = arith.index_cast %get3A_153 : i32 to index
      %get3A_155 = arith.index_cast %mul3A_111 : i32 to index
      %get3A_156 = tpu.vector_load %arg7[%get3A_154, %get3A_155] {strides = array<i32>} : memref<9x1024xf32, #tpu.memory_space<vmem>>, vector<16xf32>,
      %max3A_157 = arith.maximumf %max3A_150, %get3A_156 : vector<16xf32>
      %sub3A_158 = arith.subf %max3A_157, %max3A_150 : vector<16xf32>
      %mul3A_159 = arith.mulf %sub3A_158, %get3A_25 : vector<16xf32>
      %get3A_160 = arith.constant 7 : i32
      %get3A_161 = arith.index_cast %get3A_160 : i32 to index
      %get3A_162 = arith.index_cast %mul3A_111 : i32 to index
      %get3A_163 = tpu.vector_load %arg7[%get3A_161, %get3A_162] {strides = array<i32>} : memref<9x1024xf32, #tpu.memory_space<vmem>>, vector<16xf32>,
      %max3A_164 = arith.maximumf %max3A_157, %get3A_163 : vector<16xf32>
      %sub3A_165 = arith.subf %max3A_164, %max3A_157 : vector<16xf32>
      %mul3A_166 = arith.mulf %sub3A_165, %get3A_29 : vector<16xf32>
      %get3A_167 = arith.constant 8 : i32
      %get3A_168 = arith.index_cast %get3A_167 : i32 to index
      %get3A_169 = arith.index_cast %mul3A_111 : i32 to index
      %get3A_170 = tpu.vector_load %arg7[%get3A_168, %get3A_169] {strides = array<i32>} : memref<9x1024xf32, #tpu.memory_space<vmem>>, vector<16xf32>,
      %max3A_171 = arith.maximumf %max3A_164, %get3A_170 : vector<16xf32>
      %sub3A_172 = arith.subf %max3A_171, %max3A_164 : vector<16xf32>
      %mul3A_173 = arith.mulf %sub3A_172, %get3A_33 : vector<16xf32>
      %mul3A_174 = arith.mulf %mul3A_124, %get3A_37 : vector<16xf32>
      %sub3A_175 = arith.subf %get3A_119, %mul3A_174 : vector<16xf32>
      %swap3A = arith.constant 0 : i32
      %swap3A_176 = arith.index_cast %swap3A : i32 to index
      %swap3A_177 = arith.index_cast %add3A_115 : i32 to index
      %swap3A_178 = tpu.vector_load %arg8[%swap3A_176, %swap3A_177] {strides = array<i32>} : memref<9x3072xf32, #tpu.memory_space<vmem>>, vector<16xf32>,
      tpu.vector_store %arg8[%swap3A_176, %swap3A_177], %sub3A_175 {strides = array<i32>} : memref<9x3072xf32, #tpu.memory_space<vmem>>, vector<16xf32>,
      %swap3A_179 = arith.constant 1 : i32
      %swap3A_180 = arith.index_cast %swap3A_179 : i32 to index
      %swap3A_181 = arith.index_cast %add3A_115 : i32 to index
      %swap3A_182 = tpu.vector_load %arg8[%swap3A_180, %swap3A_181] {strides = array<i32>} : memref<9x3072xf32, #tpu.memory_space<vmem>>, vector<16xf32>,
      tpu.vector_store %arg8[%swap3A_180, %swap3A_181], %mul3A_124 {strides = array<i32>} : memref<9x3072xf32, #tpu.memory_space<vmem>>, vector<16xf32>,
      %sub3A_183 = arith.subf %mul3A_131, %mul3A_124 : vector<16xf32>
      %swap3A_184 = arith.constant 2 : i32
      %swap3A_185 = arith.index_cast %swap3A_184 : i32 to index
      %swap3A_186 = arith.index_cast %add3A_115 : i32 to index
      %swap3A_187 = tpu.vector_load %arg8[%swap3A_185, %swap3A_186] {strides = array<i32>} : memref<9x3072xf32, #tpu.memory_space<vmem>>, vector<16xf32>,
      tpu.vector_store %arg8[%swap3A_185, %swap3A_186], %sub3A_183 {strides = array<i32>} : memref<9x3072xf32, #tpu.memory_space<vmem>>, vector<16xf32>,
      %sub3A_188 = arith.subf %mul3A_138, %mul3A_131 : vector<16xf32>
      %swap3A_189 = arith.constant 3 : i32
      %swap3A_190 = arith.index_cast %swap3A_189 : i32 to index
      %swap3A_191 = arith.index_cast %add3A_115 : i32 to index
      %swap3A_192 = tpu.vector_load %arg8[%swap3A_190, %swap3A_191] {strides = array<i32>} : memref<9x3072xf32, #tpu.memory_space<vmem>>, vector<16xf32>,
      tpu.vector_store %arg8[%swap3A_190, %swap3A_191], %sub3A_188 {strides = array<i32>} : memref<9x3072xf32, #tpu.memory_space<vmem>>, vector<16xf32>,
      %sub3A_193 = arith.subf %mul3A_145, %mul3A_138 : vector<16xf32>
      %swap3A_194 = arith.constant 4 : i32
      %swap3A_195 = arith.index_cast %swap3A_194 : i32 to index
      %swap3A_196 = arith.index_cast %add3A_115 : i32 to index
      %swap3A_197 = tpu.vector_load %arg8[%swap3A_195, %swap3A_196] {strides = array<i32>} : memref<9x3072xf32, #tpu.memory_space<vmem>>, vector<16xf32>,
      tpu.vector_store %arg8[%swap3A_195, %swap3A_196], %sub3A_193 {strides = array<i32>} : memref<9x3072xf32, #tpu.memory_space<vmem>>, vector<16xf32>,
      %sub3A_198 = arith.subf %mul3A_152, %mul3A_145 : vector<16xf32>
      %swap3A_199 = arith.constant 5 : i32
      %swap3A_200 = arith.index_cast %swap3A_199 : i32 to index
      %swap3A_201 = arith.index_cast %add3A_115 : i32 to index
      %swap3A_202 = tpu.vector_load %arg8[%swap3A_200, %swap3A_201] {strides = array<i32>} : memref<9x3072xf32, #tpu.memory_space<vmem>>, vector<16xf32>,
      tpu.vector_store %arg8[%swap3A_200, %swap3A_201], %sub3A_198 {strides = array<i32>} : memref<9x3072xf32, #tpu.memory_space<vmem>>, vector<16xf32>,
      %sub3A_203 = arith.subf %mul3A_159, %mul3A_152 : vector<16xf32>
      %swap3A_204 = arith.constant 6 : i32
      %swap3A_205 = arith.index_cast %swap3A_204 : i32 to index
      %swap3A_206 = arith.index_cast %add3A_115 : i32 to index
      %swap3A_207 = tpu.vector_load %arg8[%swap3A_205, %swap3A_206] {strides = array<i32>} : memref<9x3072xf32, #tpu.memory_space<vmem>>, vector<16xf32>,
      tpu.vector_store %arg8[%swap3A_205, %swap3A_206], %sub3A_203 {strides = array<i32>} : memref<9x3072xf32, #tpu.memory_space<vmem>>, vector<16xf32>,
      %sub3A_208 = arith.subf %mul3A_166, %mul3A_159 : vector<16xf32>
      %swap3A_209 = arith.constant 7 : i32
      %swap3A_210 = arith.index_cast %swap3A_209 : i32 to index
      %swap3A_211 = arith.index_cast %add3A_115 : i32 to index
      %swap3A_212 = tpu.vector_load %arg8[%swap3A_210, %swap3A_211] {strides = array<i32>} : memref<9x3072xf32, #tpu.memory_space<vmem>>, vector<16xf32>,
      tpu.vector_store %arg8[%swap3A_210, %swap3A_211], %sub3A_208 {strides = array<i32>} : memref<9x3072xf32, #tpu.memory_space<vmem>>, vector<16xf32>,
      %sub3A_213 = arith.subf %mul3A_173, %mul3A_166 : vector<16xf32>
      %swap3A_214 = arith.constant 8 : i32
      %swap3A_215 = arith.index_cast %swap3A_214 : i32 to index
      %swap3A_216 = arith.index_cast %add3A_115 : i32 to index
      %swap3A_217 = tpu.vector_load %arg8[%swap3A_215, %swap3A_216] {strides = array<i32>} : memref<9x3072xf32, #tpu.memory_space<vmem>>, vector<16xf32>,
      tpu.vector_store %arg8[%swap3A_215, %swap3A_216], %sub3A_213 {strides = array<i32>} : memref<9x3072xf32, #tpu.memory_space<vmem>>, vector<16xf32>,
    }
    %scan3A_78 = arith.constant 64 : i32
    %add3A_79 = arith.constant 2048 : i32
    %add3A_80 = arith.addi %mul3A_2, %add3A_79 : i32
    "tpu.region"() ({
      %run_scoped3A = tpu.sem_alloc : memref<!tpu.dma_semaphore, #tpu.memory_space<semaphore_mem>>
      %dma_start3A_105 = arith.constant 0 : i32
      %dma_start3A_106 = tpu.memref_slice %arg2[%dma_start3A_105, %add3A_80] : memref<9x98304xf32, #tpu.memory_space<hbm>> -> memref<9x1024xf32, #tpu.memory_space<hbm>>
      %dma_start3A_107 = arith.constant 0 : i32
      %dma_start3A_108 = tpu.memref_slice %arg2[%dma_start3A_107, %add3A_80] : memref<9x98304xf32, #tpu.memory_space<hbm>> -> memref<9x1024xf32, #tpu.memory_space<hbm>>
      tpu.enqueue_dma source(%dma_start3A_108 : memref<9x1024xf32, #tpu.memory_space<hbm>>) target(%arg7 : memref<9x1024xf32, #tpu.memory_space<vmem>>) target_semaphore(%run_scoped3A : memref<!tpu.dma_semaphore, #tpu.memory_space<semaphore_mem>>)
      %dma_wait3A_109 = arith.constant 0 : i32
      %dma_wait3A_110 = tpu.memref_slice %arg2[%dma_wait3A_109, %add3A_80] : memref<9x98304xf32, #tpu.memory_space<hbm>> -> memref<9x1024xf32, #tpu.memory_space<hbm>>
      %dma_wait3A_111 = arith.constant 0 : i32
      %dma_wait3A_112 = tpu.memref_slice %arg2[%dma_wait3A_111, %add3A_80] : memref<9x98304xf32, #tpu.memory_space<hbm>> -> memref<9x1024xf32, #tpu.memory_space<hbm>>
      tpu.wait_dma2 semaphore(%run_scoped3A : memref<!tpu.dma_semaphore, #tpu.memory_space<semaphore_mem>>) src(%dma_wait3A_112 : memref<9x1024xf32, #tpu.memory_space<hbm>>) dst(%arg7 : memref<9x1024xf32, #tpu.memory_space<vmem>>)
      tpu.yield
    }) : () -> ()
    %scan3A_81 = arith.constant 0 : i32
    %scan3A_82 = arith.constant 64 : i32
    %scan3A_83 = arith.addi %scan3A_81, %scan3A_82 : i32
    %scan3A_84 = arith.constant 1 : i32
    scf.for %scan3A_105 = %scan3A_81 to %scan3A_83 step %scan3A_84  : i32 {
      %mul3A_106 = arith.constant 1 : i32
      %mul3A_107 = arith.muli %scan3A_105, %mul3A_106 : i32
      %add3A_108 = arith.constant 0 : i32
      %add3A_109 = arith.addi %add3A_108, %mul3A_107 : i32
      %mul3A_110 = arith.constant 16 : i32
      %mul3A_111 = arith.muli %add3A_109, %mul3A_110 : i32
      %mul3A_112 = arith.constant 16 : i32
      %mul3A_113 = arith.muli %add3A_109, %mul3A_112 : i32
      %add3A_114 = arith.constant 2048 : i32
      %add3A_115 = arith.addi %add3A_114, %mul3A_113 : i32
      %get3A_116 = arith.constant 0 : i32
      %get3A_117 = arith.index_cast %get3A_116 : i32 to index
      %get3A_118 = arith.index_cast %mul3A_111 : i32 to index
      %get3A_119 = tpu.vector_load %arg7[%get3A_117, %get3A_118] {strides = array<i32>} : memref<9x1024xf32, #tpu.memory_space<vmem>>, vector<16xf32>,
      %get3A_120 = arith.constant 1 : i32
      %get3A_121 = arith.index_cast %get3A_120 : i32 to index
      %get3A_122 = arith.index_cast %mul3A_111 : i32 to index
      %get3A_123 = tpu.vector_load %arg7[%get3A_121, %get3A_122] {strides = array<i32>} : memref<9x1024xf32, #tpu.memory_space<vmem>>, vector<16xf32>,
      %max3A = arith.maximumf %get3A_119, %get3A_123 : vector<16xf32>
      %sub3A = arith.subf %max3A, %get3A_119 : vector<16xf32>
      %mul3A_124 = arith.mulf %sub3A, %get3A_5 : vector<16xf32>
      %get3A_125 = arith.constant 2 : i32
      %get3A_126 = arith.index_cast %get3A_125 : i32 to index
      %get3A_127 = arith.index_cast %mul3A_111 : i32 to index
      %get3A_128 = tpu.vector_load %arg7[%get3A_126, %get3A_127] {strides = array<i32>} : memref<9x1024xf32, #tpu.memory_space<vmem>>, vector<16xf32>,
      %max3A_129 = arith.maximumf %max3A, %get3A_128 : vector<16xf32>
      %sub3A_130 = arith.subf %max3A_129, %max3A : vector<16xf32>
      %mul3A_131 = arith.mulf %sub3A_130, %get3A_9 : vector<16xf32>
      %get3A_132 = arith.constant 3 : i32
      %get3A_133 = arith.index_cast %get3A_132 : i32 to index
      %get3A_134 = arith.index_cast %mul3A_111 : i32 to index
      %get3A_135 = tpu.vector_load %arg7[%get3A_133, %get3A_134] {strides = array<i32>} : memref<9x1024xf32, #tpu.memory_space<vmem>>, vector<16xf32>,
      %max3A_136 = arith.maximumf %max3A_129, %get3A_135 : vector<16xf32>
      %sub3A_137 = arith.subf %max3A_136, %max3A_129 : vector<16xf32>
      %mul3A_138 = arith.mulf %sub3A_137, %get3A_13 : vector<16xf32>
      %get3A_139 = arith.constant 4 : i32
      %get3A_140 = arith.index_cast %get3A_139 : i32 to index
      %get3A_141 = arith.index_cast %mul3A_111 : i32 to index
      %get3A_142 = tpu.vector_load %arg7[%get3A_140, %get3A_141] {strides = array<i32>} : memref<9x1024xf32, #tpu.memory_space<vmem>>, vector<16xf32>,
      %max3A_143 = arith.maximumf %max3A_136, %get3A_142 : vector<16xf32>
      %sub3A_144 = arith.subf %max3A_143, %max3A_136 : vector<16xf32>
      %mul3A_145 = arith.mulf %sub3A_144, %get3A_17 : vector<16xf32>
      %get3A_146 = arith.constant 5 : i32
      %get3A_147 = arith.index_cast %get3A_146 : i32 to index
      %get3A_148 = arith.index_cast %mul3A_111 : i32 to index
      %get3A_149 = tpu.vector_load %arg7[%get3A_147, %get3A_148] {strides = array<i32>} : memref<9x1024xf32, #tpu.memory_space<vmem>>, vector<16xf32>,
      %max3A_150 = arith.maximumf %max3A_143, %get3A_149 : vector<16xf32>
      %sub3A_151 = arith.subf %max3A_150, %max3A_143 : vector<16xf32>
      %mul3A_152 = arith.mulf %sub3A_151, %get3A_21 : vector<16xf32>
      %get3A_153 = arith.constant 6 : i32
      %get3A_154 = arith.index_cast %get3A_153 : i32 to index
      %get3A_155 = arith.index_cast %mul3A_111 : i32 to index
      %get3A_156 = tpu.vector_load %arg7[%get3A_154, %get3A_155] {strides = array<i32>} : memref<9x1024xf32, #tpu.memory_space<vmem>>, vector<16xf32>,
      %max3A_157 = arith.maximumf %max3A_150, %get3A_156 : vector<16xf32>
      %sub3A_158 = arith.subf %max3A_157, %max3A_150 : vector<16xf32>
      %mul3A_159 = arith.mulf %sub3A_158, %get3A_25 : vector<16xf32>
      %get3A_160 = arith.constant 7 : i32
      %get3A_161 = arith.index_cast %get3A_160 : i32 to index
      %get3A_162 = arith.index_cast %mul3A_111 : i32 to index
      %get3A_163 = tpu.vector_load %arg7[%get3A_161, %get3A_162] {strides = array<i32>} : memref<9x1024xf32, #tpu.memory_space<vmem>>, vector<16xf32>,
      %max3A_164 = arith.maximumf %max3A_157, %get3A_163 : vector<16xf32>
      %sub3A_165 = arith.subf %max3A_164, %max3A_157 : vector<16xf32>
      %mul3A_166 = arith.mulf %sub3A_165, %get3A_29 : vector<16xf32>
      %get3A_167 = arith.constant 8 : i32
      %get3A_168 = arith.index_cast %get3A_167 : i32 to index
      %get3A_169 = arith.index_cast %mul3A_111 : i32 to index
      %get3A_170 = tpu.vector_load %arg7[%get3A_168, %get3A_169] {strides = array<i32>} : memref<9x1024xf32, #tpu.memory_space<vmem>>, vector<16xf32>,
      %max3A_171 = arith.maximumf %max3A_164, %get3A_170 : vector<16xf32>
      %sub3A_172 = arith.subf %max3A_171, %max3A_164 : vector<16xf32>
      %mul3A_173 = arith.mulf %sub3A_172, %get3A_33 : vector<16xf32>
      %mul3A_174 = arith.mulf %mul3A_124, %get3A_37 : vector<16xf32>
      %sub3A_175 = arith.subf %get3A_119, %mul3A_174 : vector<16xf32>
      %swap3A = arith.constant 0 : i32
      %swap3A_176 = arith.index_cast %swap3A : i32 to index
      %swap3A_177 = arith.index_cast %add3A_115 : i32 to index
      %swap3A_178 = tpu.vector_load %arg8[%swap3A_176, %swap3A_177] {strides = array<i32>} : memref<9x3072xf32, #tpu.memory_space<vmem>>, vector<16xf32>,
      tpu.vector_store %arg8[%swap3A_176, %swap3A_177], %sub3A_175 {strides = array<i32>} : memref<9x3072xf32, #tpu.memory_space<vmem>>, vector<16xf32>,
      %swap3A_179 = arith.constant 1 : i32
      %swap3A_180 = arith.index_cast %swap3A_179 : i32 to index
      %swap3A_181 = arith.index_cast %add3A_115 : i32 to index
      %swap3A_182 = tpu.vector_load %arg8[%swap3A_180, %swap3A_181] {strides = array<i32>} : memref<9x3072xf32, #tpu.memory_space<vmem>>, vector<16xf32>,
      tpu.vector_store %arg8[%swap3A_180, %swap3A_181], %mul3A_124 {strides = array<i32>} : memref<9x3072xf32, #tpu.memory_space<vmem>>, vector<16xf32>,
      %sub3A_183 = arith.subf %mul3A_131, %mul3A_124 : vector<16xf32>
      %swap3A_184 = arith.constant 2 : i32
      %swap3A_185 = arith.index_cast %swap3A_184 : i32 to index
      %swap3A_186 = arith.index_cast %add3A_115 : i32 to index
      %swap3A_187 = tpu.vector_load %arg8[%swap3A_185, %swap3A_186] {strides = array<i32>} : memref<9x3072xf32, #tpu.memory_space<vmem>>, vector<16xf32>,
      tpu.vector_store %arg8[%swap3A_185, %swap3A_186], %sub3A_183 {strides = array<i32>} : memref<9x3072xf32, #tpu.memory_space<vmem>>, vector<16xf32>,
      %sub3A_188 = arith.subf %mul3A_138, %mul3A_131 : vector<16xf32>
      %swap3A_189 = arith.constant 3 : i32
      %swap3A_190 = arith.index_cast %swap3A_189 : i32 to index
      %swap3A_191 = arith.index_cast %add3A_115 : i32 to index
      %swap3A_192 = tpu.vector_load %arg8[%swap3A_190, %swap3A_191] {strides = array<i32>} : memref<9x3072xf32, #tpu.memory_space<vmem>>, vector<16xf32>,
      tpu.vector_store %arg8[%swap3A_190, %swap3A_191], %sub3A_188 {strides = array<i32>} : memref<9x3072xf32, #tpu.memory_space<vmem>>, vector<16xf32>,
      %sub3A_193 = arith.subf %mul3A_145, %mul3A_138 : vector<16xf32>
      %swap3A_194 = arith.constant 4 : i32
      %swap3A_195 = arith.index_cast %swap3A_194 : i32 to index
      %swap3A_196 = arith.index_cast %add3A_115 : i32 to index
      %swap3A_197 = tpu.vector_load %arg8[%swap3A_195, %swap3A_196] {strides = array<i32>} : memref<9x3072xf32, #tpu.memory_space<vmem>>, vector<16xf32>,
      tpu.vector_store %arg8[%swap3A_195, %swap3A_196], %sub3A_193 {strides = array<i32>} : memref<9x3072xf32, #tpu.memory_space<vmem>>, vector<16xf32>,
      %sub3A_198 = arith.subf %mul3A_152, %mul3A_145 : vector<16xf32>
      %swap3A_199 = arith.constant 5 : i32
      %swap3A_200 = arith.index_cast %swap3A_199 : i32 to index
      %swap3A_201 = arith.index_cast %add3A_115 : i32 to index
      %swap3A_202 = tpu.vector_load %arg8[%swap3A_200, %swap3A_201] {strides = array<i32>} : memref<9x3072xf32, #tpu.memory_space<vmem>>, vector<16xf32>,
      tpu.vector_store %arg8[%swap3A_200, %swap3A_201], %sub3A_198 {strides = array<i32>} : memref<9x3072xf32, #tpu.memory_space<vmem>>, vector<16xf32>,
      %sub3A_203 = arith.subf %mul3A_159, %mul3A_152 : vector<16xf32>
      %swap3A_204 = arith.constant 6 : i32
      %swap3A_205 = arith.index_cast %swap3A_204 : i32 to index
      %swap3A_206 = arith.index_cast %add3A_115 : i32 to index
      %swap3A_207 = tpu.vector_load %arg8[%swap3A_205, %swap3A_206] {strides = array<i32>} : memref<9x3072xf32, #tpu.memory_space<vmem>>, vector<16xf32>,
      tpu.vector_store %arg8[%swap3A_205, %swap3A_206], %sub3A_203 {strides = array<i32>} : memref<9x3072xf32, #tpu.memory_space<vmem>>, vector<16xf32>,
      %sub3A_208 = arith.subf %mul3A_166, %mul3A_159 : vector<16xf32>
      %swap3A_209 = arith.constant 7 : i32
      %swap3A_210 = arith.index_cast %swap3A_209 : i32 to index
      %swap3A_211 = arith.index_cast %add3A_115 : i32 to index
      %swap3A_212 = tpu.vector_load %arg8[%swap3A_210, %swap3A_211] {strides = array<i32>} : memref<9x3072xf32, #tpu.memory_space<vmem>>, vector<16xf32>,
      tpu.vector_store %arg8[%swap3A_210, %swap3A_211], %sub3A_208 {strides = array<i32>} : memref<9x3072xf32, #tpu.memory_space<vmem>>, vector<16xf32>,
      %sub3A_213 = arith.subf %mul3A_173, %mul3A_166 : vector<16xf32>
      %swap3A_214 = arith.constant 8 : i32
      %swap3A_215 = arith.index_cast %swap3A_214 : i32 to index
      %swap3A_216 = arith.index_cast %add3A_115 : i32 to index
      %swap3A_217 = tpu.vector_load %arg8[%swap3A_215, %swap3A_216] {strides = array<i32>} : memref<9x3072xf32, #tpu.memory_space<vmem>>, vector<16xf32>,
      tpu.vector_store %arg8[%swap3A_215, %swap3A_216], %sub3A_213 {strides = array<i32>} : memref<9x3072xf32, #tpu.memory_space<vmem>>, vector<16xf32>,
    }
    %scan3A_85 = arith.constant 64 : i32
    %dma_start3A = arith.constant 0 : i32
    %dma_start3A_86 = tpu.memref_slice %arg3[%dma_start3A, %mul3A_2] : memref<128x98304xf32, #tpu.memory_space<hbm>> -> memref<4x3072xf32, #tpu.memory_space<hbm>>
    %dma_start3A_87 = arith.constant 0 : i32
    %dma_start3A_88 = tpu.memref_slice %arg3[%dma_start3A_87, %mul3A_2] : memref<128x98304xf32, #tpu.memory_space<hbm>> -> memref<4x3072xf32, #tpu.memory_space<hbm>>
    tpu.enqueue_dma source(%dma_start3A_88 : memref<4x3072xf32, #tpu.memory_space<hbm>>) target(%arg11 : memref<4x3072xf32, #tpu.memory_space<vmem>>) target_semaphore(%arg15 : memref<!tpu.dma_semaphore, #tpu.memory_space<semaphore_mem>>)
    %dma_start3A_89 = arith.constant 4 : i32
    %dma_start3A_90 = tpu.memref_slice %arg3[%dma_start3A_89, %mul3A_2] : memref<128x98304xf32, #tpu.memory_space<hbm>> -> memref<4x3072xf32, #tpu.memory_space<hbm>>
    %dma_start3A_91 = arith.constant 4 : i32
    %dma_start3A_92 = tpu.memref_slice %arg3[%dma_start3A_91, %mul3A_2] : memref<128x98304xf32, #tpu.memory_space<hbm>> -> memref<4x3072xf32, #tpu.memory_space<hbm>>
    tpu.enqueue_dma source(%dma_start3A_92 : memref<4x3072xf32, #tpu.memory_space<hbm>>) target(%arg12 : memref<4x3072xf32, #tpu.memory_space<vmem>>) target_semaphore(%arg16 : memref<!tpu.dma_semaphore, #tpu.memory_space<semaphore_mem>>)
    %scan3A_93 = arith.constant 0 : i32
    %scan3A_94 = arith.constant 16 : i32
    %scan3A_95 = arith.addi %scan3A_93, %scan3A_94 : i32
    %scan3A_96 = arith.constant 1 : i32
    scf.for %scan3A_105 = %scan3A_93 to %scan3A_95 step %scan3A_96  : i32 {
      %mul3A_106 = arith.constant 2 : i32
      %mul3A_107 = arith.muli %scan3A_105, %mul3A_106 : i32
      %add3A_108 = arith.constant 0 : i32
      %add3A_109 = arith.addi %add3A_108, %mul3A_107 : i32
      %add3A_110 = arith.constant 0 : i32
      %add3A_111 = arith.addi %add3A_109, %add3A_110 : i32
      %mul3A_112 = arith.constant 4 : i32
      %mul3A_113 = arith.muli %add3A_111, %mul3A_112 : i32
      %dma_wait3A_114 = tpu.memref_slice %arg3[%mul3A_113, %mul3A_2] : memref<128x98304xf32, #tpu.memory_space<hbm>> -> memref<4x3072xf32, #tpu.memory_space<hbm>>
      %dma_wait3A_115 = tpu.memref_slice %arg3[%mul3A_113, %mul3A_2] : memref<128x98304xf32, #tpu.memory_space<hbm>> -> memref<4x3072xf32, #tpu.memory_space<hbm>>
      tpu.wait_dma2 semaphore(%arg15 : memref<!tpu.dma_semaphore, #tpu.memory_space<semaphore_mem>>) src(%dma_wait3A_115 : memref<4x3072xf32, #tpu.memory_space<hbm>>) dst(%arg11 : memref<4x3072xf32, #tpu.memory_space<vmem>>)
      %ge3A = arith.constant 2 : i32
      %ge3A_116 = arith.cmpi sge, %add3A_111, %ge3A : i32
      %convert_element_type3A = arith.extui %ge3A_116 : i1 to i32
      %cond3A = arith.constant 0 : i32
      %cond3A_117 = arith.cmpi ne, %convert_element_type3A, %cond3A : i32
      scf.if %cond3A_117 {
        %mul3A_160 = arith.constant 4 : i32
        %mul3A_161 = arith.muli %add3A_111, %mul3A_160 : i32
        %dma_wait3A_162 = tpu.memref_slice %arg6[%mul3A_161, %mul3A_2] : memref<128x98304xf32, #tpu.memory_space<hbm>> -> memref<4x3072xf32, #tpu.memory_space<hbm>>
        %dma_wait3A_163 = tpu.memref_slice %arg6[%mul3A_161, %mul3A_2] : memref<128x98304xf32, #tpu.memory_space<hbm>> -> memref<4x3072xf32, #tpu.memory_space<hbm>>
        tpu.wait_dma2 semaphore(%arg17 : memref<!tpu.dma_semaphore, #tpu.memory_space<semaphore_mem>>) src(%arg13 : memref<4x3072xf32, #tpu.memory_space<vmem>>) dst(%dma_wait3A_163 : memref<4x3072xf32, #tpu.memory_space<hbm>>)
      } else {
      }
      %scan3A_118 = arith.constant 0 : i32
      %scan3A_119 = arith.constant 192 : i32
      %scan3A_120 = arith.addi %scan3A_118, %scan3A_119 : i32
      %scan3A_121 = arith.constant 1 : i32
      scf.for %scan3A_160 = %scan3A_118 to %scan3A_120 step %scan3A_121  : i32 {
        %mul3A_161 = arith.constant 1 : i32
        %mul3A_162 = arith.muli %scan3A_160, %mul3A_161 : i32
        %add3A_163 = arith.constant 0 : i32
        %add3A_164 = arith.addi %add3A_163, %mul3A_162 : i32
        %mul3A_165 = arith.constant 16 : i32
        %mul3A_166 = arith.muli %add3A_164, %mul3A_165 : i32
        %get3A_167 = arith.constant 0 : i32
        %get3A_168 = arith.index_cast %get3A_167 : i32 to index
        %get3A_169 = arith.index_cast %mul3A_166 : i32 to index
        %get3A_170 = tpu.vector_load %arg8[%get3A_168, %get3A_169] {strides = array<i32>} : memref<9x3072xf32, #tpu.memory_space<vmem>>, vector<16xf32>,
        %get3A_171 = arith.constant 1 : i32
        %get3A_172 = arith.index_cast %get3A_171 : i32 to index
        %get3A_173 = arith.index_cast %mul3A_166 : i32 to index
        %get3A_174 = tpu.vector_load %arg8[%get3A_172, %get3A_173] {strides = array<i32>} : memref<9x3072xf32, #tpu.memory_space<vmem>>, vector<16xf32>,
        %get3A_175 = arith.constant 2 : i32
        %get3A_176 = arith.index_cast %get3A_175 : i32 to index
        %get3A_177 = arith.index_cast %mul3A_166 : i32 to index
        %get3A_178 = tpu.vector_load %arg8[%get3A_176, %get3A_177] {strides = array<i32>} : memref<9x3072xf32, #tpu.memory_space<vmem>>, vector<16xf32>,
        %get3A_179 = arith.constant 3 : i32
        %get3A_180 = arith.index_cast %get3A_179 : i32 to index
        %get3A_181 = arith.index_cast %mul3A_166 : i32 to index
        %get3A_182 = tpu.vector_load %arg8[%get3A_180, %get3A_181] {strides = array<i32>} : memref<9x3072xf32, #tpu.memory_space<vmem>>, vector<16xf32>,
        %get3A_183 = arith.constant 4 : i32
        %get3A_184 = arith.index_cast %get3A_183 : i32 to index
        %get3A_185 = arith.index_cast %mul3A_166 : i32 to index
        %get3A_186 = tpu.vector_load %arg8[%get3A_184, %get3A_185] {strides = array<i32>} : memref<9x3072xf32, #tpu.memory_space<vmem>>, vector<16xf32>,
        %get3A_187 = arith.constant 5 : i32
        %get3A_188 = arith.index_cast %get3A_187 : i32 to index
        %get3A_189 = arith.index_cast %mul3A_166 : i32 to index
        %get3A_190 = tpu.vector_load %arg8[%get3A_188, %get3A_189] {strides = array<i32>} : memref<9x3072xf32, #tpu.memory_space<vmem>>, vector<16xf32>,
        %get3A_191 = arith.constant 6 : i32
        %get3A_192 = arith.index_cast %get3A_191 : i32 to index
        %get3A_193 = arith.index_cast %mul3A_166 : i32 to index
        %get3A_194 = tpu.vector_load %arg8[%get3A_192, %get3A_193] {strides = array<i32>} : memref<9x3072xf32, #tpu.memory_space<vmem>>, vector<16xf32>,
        %get3A_195 = arith.constant 7 : i32
        %get3A_196 = arith.index_cast %get3A_195 : i32 to index
        %get3A_197 = arith.index_cast %mul3A_166 : i32 to index
        %get3A_198 = tpu.vector_load %arg8[%get3A_196, %get3A_197] {strides = array<i32>} : memref<9x3072xf32, #tpu.memory_space<vmem>>, vector<16xf32>,
        %get3A_199 = arith.constant 8 : i32
        %get3A_200 = arith.index_cast %get3A_199 : i32 to index
        %get3A_201 = arith.index_cast %mul3A_166 : i32 to index
        %get3A_202 = tpu.vector_load %arg8[%get3A_200, %get3A_201] {strides = array<i32>} : memref<9x3072xf32, #tpu.memory_space<vmem>>, vector<16xf32>,
        %get3A_203 = arith.constant 0 : i32
        %get3A_204 = arith.index_cast %get3A_203 : i32 to index
        %get3A_205 = arith.index_cast %mul3A_166 : i32 to index
        %get3A_206 = tpu.vector_load %arg11[%get3A_204, %get3A_205] {strides = array<i32>} : memref<4x3072xf32, #tpu.memory_space<vmem>>, vector<16xf32>,
        %mul3A_207 = arith.mulf %get3A_174, %get3A_206 : vector<16xf32>
        %add3A_208 = arith.addf %get3A_170, %mul3A_207 : vector<16xf32>
        %sub3A = arith.subf %get3A_206, %get3A_41 : vector<16xf32>
        %max3A = arith.constant 0.000000e+00 : f32
        %max3A_209 = vector.broadcast %max3A : f32 to vector<16xf32>
        %max3A_210 = arith.maximumf %sub3A, %max3A_209 : vector<16xf32>
        %mul3A_211 = arith.mulf %get3A_178, %max3A_210 : vector<16xf32>
        %sub3A_212 = arith.subf %get3A_206, %get3A_45 : vector<16xf32>
        %max3A_213 = arith.constant 0.000000e+00 : f32
        %max3A_214 = vector.broadcast %max3A_213 : f32 to vector<16xf32>
        %max3A_215 = arith.maximumf %sub3A_212, %max3A_214 : vector<16xf32>
        %mul3A_216 = arith.mulf %get3A_182, %max3A_215 : vector<16xf32>
        %sub3A_217 = arith.subf %get3A_206, %get3A_49 : vector<16xf32>
        %max3A_218 = arith.constant 0.000000e+00 : f32
        %max3A_219 = vector.broadcast %max3A_218 : f32 to vector<16xf32>
        %max3A_220 = arith.maximumf %sub3A_217, %max3A_219 : vector<16xf32>
        %mul3A_221 = arith.mulf %get3A_186, %max3A_220 : vector<16xf32>
        %sub3A_222 = arith.subf %get3A_206, %get3A_53 : vector<16xf32>
        %max3A_223 = arith.constant 0.000000e+00 : f32
        %max3A_224 = vector.broadcast %max3A_223 : f32 to vector<16xf32>
        %max3A_225 = arith.maximumf %sub3A_222, %max3A_224 : vector<16xf32>
        %mul3A_226 = arith.mulf %get3A_190, %max3A_225 : vector<16xf32>
        %sub3A_227 = arith.subf %get3A_206, %get3A_57 : vector<16xf32>
        %max3A_228 = arith.constant 0.000000e+00 : f32
        %max3A_229 = vector.broadcast %max3A_228 : f32 to vector<16xf32>
        %max3A_230 = arith.maximumf %sub3A_227, %max3A_229 : vector<16xf32>
        %mul3A_231 = arith.mulf %get3A_194, %max3A_230 : vector<16xf32>
        %sub3A_232 = arith.subf %get3A_206, %get3A_61 : vector<16xf32>
        %max3A_233 = arith.constant 0.000000e+00 : f32
        %max3A_234 = vector.broadcast %max3A_233 : f32 to vector<16xf32>
        %max3A_235 = arith.maximumf %sub3A_232, %max3A_234 : vector<16xf32>
        %mul3A_236 = arith.mulf %get3A_198, %max3A_235 : vector<16xf32>
        %sub3A_237 = arith.subf %get3A_206, %get3A_65 : vector<16xf32>
        %max3A_238 = arith.constant 0.000000e+00 : f32
        %max3A_239 = vector.broadcast %max3A_238 : f32 to vector<16xf32>
        %max3A_240 = arith.maximumf %sub3A_237, %max3A_239 : vector<16xf32>
        %mul3A_241 = arith.mulf %get3A_202, %max3A_240 : vector<16xf32>
        %add3A_242 = arith.addf %add3A_208, %mul3A_211 : vector<16xf32>
        %add3A_243 = arith.addf %mul3A_216, %mul3A_221 : vector<16xf32>
        %add3A_244 = arith.addf %mul3A_226, %mul3A_231 : vector<16xf32>
        %add3A_245 = arith.addf %mul3A_236, %mul3A_241 : vector<16xf32>
        %add3A_246 = arith.addf %add3A_242, %add3A_243 : vector<16xf32>
        %add3A_247 = arith.addf %add3A_244, %add3A_245 : vector<16xf32>
        %add3A_248 = arith.addf %add3A_246, %add3A_247 : vector<16xf32>
        %max3A_249 = arith.constant 0.000000e+00 : f32
        %max3A_250 = vector.broadcast %max3A_249 : f32 to vector<16xf32>
        %max3A_251 = arith.maximumf %add3A_248, %max3A_250 : vector<16xf32>
        %swap3A = arith.constant 0 : i32
        %swap3A_252 = arith.index_cast %swap3A : i32 to index
        %swap3A_253 = arith.index_cast %mul3A_166 : i32 to index
        %swap3A_254 = tpu.vector_load %arg13[%swap3A_252, %swap3A_253] {strides = array<i32>} : memref<4x3072xf32, #tpu.memory_space<vmem>>, vector<16xf32>,
        tpu.vector_store %arg13[%swap3A_252, %swap3A_253], %max3A_251 {strides = array<i32>} : memref<4x3072xf32, #tpu.memory_space<vmem>>, vector<16xf32>,
        %get3A_255 = arith.constant 1 : i32
        %get3A_256 = arith.index_cast %get3A_255 : i32 to index
        %get3A_257 = arith.index_cast %mul3A_166 : i32 to index
        %get3A_258 = tpu.vector_load %arg11[%get3A_256, %get3A_257] {strides = array<i32>} : memref<4x3072xf32, #tpu.memory_space<vmem>>, vector<16xf32>,
        %mul3A_259 = arith.mulf %get3A_174, %get3A_258 : vector<16xf32>
        %add3A_260 = arith.addf %get3A_170, %mul3A_259 : vector<16xf32>
        %sub3A_261 = arith.subf %get3A_258, %get3A_41 : vector<16xf32>
        %max3A_262 = arith.constant 0.000000e+00 : f32
        %max3A_263 = vector.broadcast %max3A_262 : f32 to vector<16xf32>
        %max3A_264 = arith.maximumf %sub3A_261, %max3A_263 : vector<16xf32>
        %mul3A_265 = arith.mulf %get3A_178, %max3A_264 : vector<16xf32>
        %sub3A_266 = arith.subf %get3A_258, %get3A_45 : vector<16xf32>
        %max3A_267 = arith.constant 0.000000e+00 : f32
        %max3A_268 = vector.broadcast %max3A_267 : f32 to vector<16xf32>
        %max3A_269 = arith.maximumf %sub3A_266, %max3A_268 : vector<16xf32>
        %mul3A_270 = arith.mulf %get3A_182, %max3A_269 : vector<16xf32>
        %sub3A_271 = arith.subf %get3A_258, %get3A_49 : vector<16xf32>
        %max3A_272 = arith.constant 0.000000e+00 : f32
        %max3A_273 = vector.broadcast %max3A_272 : f32 to vector<16xf32>
        %max3A_274 = arith.maximumf %sub3A_271, %max3A_273 : vector<16xf32>
        %mul3A_275 = arith.mulf %get3A_186, %max3A_274 : vector<16xf32>
        %sub3A_276 = arith.subf %get3A_258, %get3A_53 : vector<16xf32>
        %max3A_277 = arith.constant 0.000000e+00 : f32
        %max3A_278 = vector.broadcast %max3A_277 : f32 to vector<16xf32>
        %max3A_279 = arith.maximumf %sub3A_276, %max3A_278 : vector<16xf32>
        %mul3A_280 = arith.mulf %get3A_190, %max3A_279 : vector<16xf32>
        %sub3A_281 = arith.subf %get3A_258, %get3A_57 : vector<16xf32>
        %max3A_282 = arith.constant 0.000000e+00 : f32
        %max3A_283 = vector.broadcast %max3A_282 : f32 to vector<16xf32>
        %max3A_284 = arith.maximumf %sub3A_281, %max3A_283 : vector<16xf32>
        %mul3A_285 = arith.mulf %get3A_194, %max3A_284 : vector<16xf32>
        %sub3A_286 = arith.subf %get3A_258, %get3A_61 : vector<16xf32>
        %max3A_287 = arith.constant 0.000000e+00 : f32
        %max3A_288 = vector.broadcast %max3A_287 : f32 to vector<16xf32>
        %max3A_289 = arith.maximumf %sub3A_286, %max3A_288 : vector<16xf32>
        %mul3A_290 = arith.mulf %get3A_198, %max3A_289 : vector<16xf32>
        %sub3A_291 = arith.subf %get3A_258, %get3A_65 : vector<16xf32>
        %max3A_292 = arith.constant 0.000000e+00 : f32
        %max3A_293 = vector.broadcast %max3A_292 : f32 to vector<16xf32>
        %max3A_294 = arith.maximumf %sub3A_291, %max3A_293 : vector<16xf32>
        %mul3A_295 = arith.mulf %get3A_202, %max3A_294 : vector<16xf32>
        %add3A_296 = arith.addf %add3A_260, %mul3A_265 : vector<16xf32>
        %add3A_297 = arith.addf %mul3A_270, %mul3A_275 : vector<16xf32>
        %add3A_298 = arith.addf %mul3A_280, %mul3A_285 : vector<16xf32>
        %add3A_299 = arith.addf %mul3A_290, %mul3A_295 : vector<16xf32>
        %add3A_300 = arith.addf %add3A_296, %add3A_297 : vector<16xf32>
        %add3A_301 = arith.addf %add3A_298, %add3A_299 : vector<16xf32>
        %add3A_302 = arith.addf %add3A_300, %add3A_301 : vector<16xf32>
        %max3A_303 = arith.constant 0.000000e+00 : f32
        %max3A_304 = vector.broadcast %max3A_303 : f32 to vector<16xf32>
        %max3A_305 = arith.maximumf %add3A_302, %max3A_304 : vector<16xf32>
        %swap3A_306 = arith.constant 1 : i32
        %swap3A_307 = arith.index_cast %swap3A_306 : i32 to index
        %swap3A_308 = arith.index_cast %mul3A_166 : i32 to index
        %swap3A_309 = tpu.vector_load %arg13[%swap3A_307, %swap3A_308] {strides = array<i32>} : memref<4x3072xf32, #tpu.memory_space<vmem>>, vector<16xf32>,
        tpu.vector_store %arg13[%swap3A_307, %swap3A_308], %max3A_305 {strides = array<i32>} : memref<4x3072xf32, #tpu.memory_space<vmem>>, vector<16xf32>,
        %get3A_310 = arith.constant 2 : i32
        %get3A_311 = arith.index_cast %get3A_310 : i32 to index
        %get3A_312 = arith.index_cast %mul3A_166 : i32 to index
        %get3A_313 = tpu.vector_load %arg11[%get3A_311, %get3A_312] {strides = array<i32>} : memref<4x3072xf32, #tpu.memory_space<vmem>>, vector<16xf32>,
        %mul3A_314 = arith.mulf %get3A_174, %get3A_313 : vector<16xf32>
        %add3A_315 = arith.addf %get3A_170, %mul3A_314 : vector<16xf32>
        %sub3A_316 = arith.subf %get3A_313, %get3A_41 : vector<16xf32>
        %max3A_317 = arith.constant 0.000000e+00 : f32
        %max3A_318 = vector.broadcast %max3A_317 : f32 to vector<16xf32>
        %max3A_319 = arith.maximumf %sub3A_316, %max3A_318 : vector<16xf32>
        %mul3A_320 = arith.mulf %get3A_178, %max3A_319 : vector<16xf32>
        %sub3A_321 = arith.subf %get3A_313, %get3A_45 : vector<16xf32>
        %max3A_322 = arith.constant 0.000000e+00 : f32
        %max3A_323 = vector.broadcast %max3A_322 : f32 to vector<16xf32>
        %max3A_324 = arith.maximumf %sub3A_321, %max3A_323 : vector<16xf32>
        %mul3A_325 = arith.mulf %get3A_182, %max3A_324 : vector<16xf32>
        %sub3A_326 = arith.subf %get3A_313, %get3A_49 : vector<16xf32>
        %max3A_327 = arith.constant 0.000000e+00 : f32
        %max3A_328 = vector.broadcast %max3A_327 : f32 to vector<16xf32>
        %max3A_329 = arith.maximumf %sub3A_326, %max3A_328 : vector<16xf32>
        %mul3A_330 = arith.mulf %get3A_186, %max3A_329 : vector<16xf32>
        %sub3A_331 = arith.subf %get3A_313, %get3A_53 : vector<16xf32>
        %max3A_332 = arith.constant 0.000000e+00 : f32
        %max3A_333 = vector.broadcast %max3A_332 : f32 to vector<16xf32>
        %max3A_334 = arith.maximumf %sub3A_331, %max3A_333 : vector<16xf32>
        %mul3A_335 = arith.mulf %get3A_190, %max3A_334 : vector<16xf32>
        %sub3A_336 = arith.subf %get3A_313, %get3A_57 : vector<16xf32>
        %max3A_337 = arith.constant 0.000000e+00 : f32
        %max3A_338 = vector.broadcast %max3A_337 : f32 to vector<16xf32>
        %max3A_339 = arith.maximumf %sub3A_336, %max3A_338 : vector<16xf32>
        %mul3A_340 = arith.mulf %get3A_194, %max3A_339 : vector<16xf32>
        %sub3A_341 = arith.subf %get3A_313, %get3A_61 : vector<16xf32>
        %max3A_342 = arith.constant 0.000000e+00 : f32
        %max3A_343 = vector.broadcast %max3A_342 : f32 to vector<16xf32>
        %max3A_344 = arith.maximumf %sub3A_341, %max3A_343 : vector<16xf32>
        %mul3A_345 = arith.mulf %get3A_198, %max3A_344 : vector<16xf32>
        %sub3A_346 = arith.subf %get3A_313, %get3A_65 : vector<16xf32>
        %max3A_347 = arith.constant 0.000000e+00 : f32
        %max3A_348 = vector.broadcast %max3A_347 : f32 to vector<16xf32>
        %max3A_349 = arith.maximumf %sub3A_346, %max3A_348 : vector<16xf32>
        %mul3A_350 = arith.mulf %get3A_202, %max3A_349 : vector<16xf32>
        %add3A_351 = arith.addf %add3A_315, %mul3A_320 : vector<16xf32>
        %add3A_352 = arith.addf %mul3A_325, %mul3A_330 : vector<16xf32>
        %add3A_353 = arith.addf %mul3A_335, %mul3A_340 : vector<16xf32>
        %add3A_354 = arith.addf %mul3A_345, %mul3A_350 : vector<16xf32>
        %add3A_355 = arith.addf %add3A_351, %add3A_352 : vector<16xf32>
        %add3A_356 = arith.addf %add3A_353, %add3A_354 : vector<16xf32>
        %add3A_357 = arith.addf %add3A_355, %add3A_356 : vector<16xf32>
        %max3A_358 = arith.constant 0.000000e+00 : f32
        %max3A_359 = vector.broadcast %max3A_358 : f32 to vector<16xf32>
        %max3A_360 = arith.maximumf %add3A_357, %max3A_359 : vector<16xf32>
        %swap3A_361 = arith.constant 2 : i32
        %swap3A_362 = arith.index_cast %swap3A_361 : i32 to index
        %swap3A_363 = arith.index_cast %mul3A_166 : i32 to index
        %swap3A_364 = tpu.vector_load %arg13[%swap3A_362, %swap3A_363] {strides = array<i32>} : memref<4x3072xf32, #tpu.memory_space<vmem>>, vector<16xf32>,
        tpu.vector_store %arg13[%swap3A_362, %swap3A_363], %max3A_360 {strides = array<i32>} : memref<4x3072xf32, #tpu.memory_space<vmem>>, vector<16xf32>,
        %get3A_365 = arith.constant 3 : i32
        %get3A_366 = arith.index_cast %get3A_365 : i32 to index
        %get3A_367 = arith.index_cast %mul3A_166 : i32 to index
        %get3A_368 = tpu.vector_load %arg11[%get3A_366, %get3A_367] {strides = array<i32>} : memref<4x3072xf32, #tpu.memory_space<vmem>>, vector<16xf32>,
        %mul3A_369 = arith.mulf %get3A_174, %get3A_368 : vector<16xf32>
        %add3A_370 = arith.addf %get3A_170, %mul3A_369 : vector<16xf32>
        %sub3A_371 = arith.subf %get3A_368, %get3A_41 : vector<16xf32>
        %max3A_372 = arith.constant 0.000000e+00 : f32
        %max3A_373 = vector.broadcast %max3A_372 : f32 to vector<16xf32>
        %max3A_374 = arith.maximumf %sub3A_371, %max3A_373 : vector<16xf32>
        %mul3A_375 = arith.mulf %get3A_178, %max3A_374 : vector<16xf32>
        %sub3A_376 = arith.subf %get3A_368, %get3A_45 : vector<16xf32>
        %max3A_377 = arith.constant 0.000000e+00 : f32
        %max3A_378 = vector.broadcast %max3A_377 : f32 to vector<16xf32>
        %max3A_379 = arith.maximumf %sub3A_376, %max3A_378 : vector<16xf32>
        %mul3A_380 = arith.mulf %get3A_182, %max3A_379 : vector<16xf32>
        %sub3A_381 = arith.subf %get3A_368, %get3A_49 : vector<16xf32>
        %max3A_382 = arith.constant 0.000000e+00 : f32
        %max3A_383 = vector.broadcast %max3A_382 : f32 to vector<16xf32>
        %max3A_384 = arith.maximumf %sub3A_381, %max3A_383 : vector<16xf32>
        %mul3A_385 = arith.mulf %get3A_186, %max3A_384 : vector<16xf32>
        %sub3A_386 = arith.subf %get3A_368, %get3A_53 : vector<16xf32>
        %max3A_387 = arith.constant 0.000000e+00 : f32
        %max3A_388 = vector.broadcast %max3A_387 : f32 to vector<16xf32>
        %max3A_389 = arith.maximumf %sub3A_386, %max3A_388 : vector<16xf32>
        %mul3A_390 = arith.mulf %get3A_190, %max3A_389 : vector<16xf32>
        %sub3A_391 = arith.subf %get3A_368, %get3A_57 : vector<16xf32>
        %max3A_392 = arith.constant 0.000000e+00 : f32
        %max3A_393 = vector.broadcast %max3A_392 : f32 to vector<16xf32>
        %max3A_394 = arith.maximumf %sub3A_391, %max3A_393 : vector<16xf32>
        %mul3A_395 = arith.mulf %get3A_194, %max3A_394 : vector<16xf32>
        %sub3A_396 = arith.subf %get3A_368, %get3A_61 : vector<16xf32>
        %max3A_397 = arith.constant 0.000000e+00 : f32
        %max3A_398 = vector.broadcast %max3A_397 : f32 to vector<16xf32>
        %max3A_399 = arith.maximumf %sub3A_396, %max3A_398 : vector<16xf32>
        %mul3A_400 = arith.mulf %get3A_198, %max3A_399 : vector<16xf32>
        %sub3A_401 = arith.subf %get3A_368, %get3A_65 : vector<16xf32>
        %max3A_402 = arith.constant 0.000000e+00 : f32
        %max3A_403 = vector.broadcast %max3A_402 : f32 to vector<16xf32>
        %max3A_404 = arith.maximumf %sub3A_401, %max3A_403 : vector<16xf32>
        %mul3A_405 = arith.mulf %get3A_202, %max3A_404 : vector<16xf32>
        %add3A_406 = arith.addf %add3A_370, %mul3A_375 : vector<16xf32>
        %add3A_407 = arith.addf %mul3A_380, %mul3A_385 : vector<16xf32>
        %add3A_408 = arith.addf %mul3A_390, %mul3A_395 : vector<16xf32>
        %add3A_409 = arith.addf %mul3A_400, %mul3A_405 : vector<16xf32>
        %add3A_410 = arith.addf %add3A_406, %add3A_407 : vector<16xf32>
        %add3A_411 = arith.addf %add3A_408, %add3A_409 : vector<16xf32>
        %add3A_412 = arith.addf %add3A_410, %add3A_411 : vector<16xf32>
        %max3A_413 = arith.constant 0.000000e+00 : f32
        %max3A_414 = vector.broadcast %max3A_413 : f32 to vector<16xf32>
        %max3A_415 = arith.maximumf %add3A_412, %max3A_414 : vector<16xf32>
        %swap3A_416 = arith.constant 3 : i32
        %swap3A_417 = arith.index_cast %swap3A_416 : i32 to index
        %swap3A_418 = arith.index_cast %mul3A_166 : i32 to index
        %swap3A_419 = tpu.vector_load %arg13[%swap3A_417, %swap3A_418] {strides = array<i32>} : memref<4x3072xf32, #tpu.memory_space<vmem>>, vector<16xf32>,
        tpu.vector_store %arg13[%swap3A_417, %swap3A_418], %max3A_415 {strides = array<i32>} : memref<4x3072xf32, #tpu.memory_space<vmem>>, vector<16xf32>,
      }
      %scan3A_122 = arith.constant 192 : i32
      %add3A_123 = arith.constant 2 : i32
      %add3A_124 = arith.addi %add3A_111, %add3A_123 : i32
      %lt3A = arith.constant 32 : i32
      %lt3A_125 = arith.cmpi slt, %add3A_124, %lt3A : i32
      %convert_element_type3A_126 = arith.extui %lt3A_125 : i1 to i32
      %cond3A_127 = arith.constant 0 : i32
      %cond3A_128 = arith.cmpi ne, %convert_element_type3A_126, %cond3A_127 : i32
      scf.if %cond3A_128 {
        %add3A_160 = arith.constant 2 : i32
        %add3A_161 = arith.addi %add3A_111, %add3A_160 : i32
        %mul3A_162 = arith.constant 4 : i32
        %mul3A_163 = arith.muli %add3A_161, %mul3A_162 : i32
        %dma_start3A_164 = tpu.memref_slice %arg3[%mul3A_163, %mul3A_2] : memref<128x98304xf32, #tpu.memory_space<hbm>> -> memref<4x3072xf32, #tpu.memory_space<hbm>>
        %dma_start3A_165 = tpu.memref_slice %arg3[%mul3A_163, %mul3A_2] : memref<128x98304xf32, #tpu.memory_space<hbm>> -> memref<4x3072xf32, #tpu.memory_space<hbm>>
        tpu.enqueue_dma source(%dma_start3A_165 : memref<4x3072xf32, #tpu.memory_space<hbm>>) target(%arg11 : memref<4x3072xf32, #tpu.memory_space<vmem>>) target_semaphore(%arg15 : memref<!tpu.dma_semaphore, #tpu.memory_space<semaphore_mem>>)
      } else {
      }
      %mul3A_129 = arith.constant 4 : i32
      %mul3A_130 = arith.muli %add3A_111, %mul3A_129 : i32
      %dma_start3A_131 = tpu.memref_slice %arg6[%mul3A_130, %mul3A_2] : memref<128x98304xf32, #tpu.memory_space<hbm>> -> memref<4x3072xf32, #tpu.memory_space<hbm>>
      %dma_start3A_132 = tpu.memref_slice %arg6[%mul3A_130, %mul3A_2] : memref<128x98304xf32, #tpu.memory_space<hbm>> -> memref<4x3072xf32, #tpu.memory_space<hbm>>
      tpu.enqueue_dma source(%arg13 : memref<4x3072xf32, #tpu.memory_space<vmem>>) target(%dma_start3A_132 : memref<4x3072xf32, #tpu.memory_space<hbm>>) target_semaphore(%arg17 : memref<!tpu.dma_semaphore, #tpu.memory_space<semaphore_mem>>)
      %add3A_133 = arith.constant 1 : i32
      %add3A_134 = arith.addi %add3A_109, %add3A_133 : i32
      %mul3A_135 = arith.constant 4 : i32
      %mul3A_136 = arith.muli %add3A_134, %mul3A_135 : i32
      %dma_wait3A_137 = tpu.memref_slice %arg3[%mul3A_136, %mul3A_2] : memref<128x98304xf32, #tpu.memory_space<hbm>> -> memref<4x3072xf32, #tpu.memory_space<hbm>>
      %dma_wait3A_138 = tpu.memref_slice %arg3[%mul3A_136, %mul3A_2] : memref<128x98304xf32, #tpu.memory_space<hbm>> -> memref<4x3072xf32, #tpu.memory_space<hbm>>
      tpu.wait_dma2 semaphore(%arg16 : memref<!tpu.dma_semaphore, #tpu.memory_space<semaphore_mem>>) src(%dma_wait3A_138 : memref<4x3072xf32, #tpu.memory_space<hbm>>) dst(%arg12 : memref<4x3072xf32, #tpu.memory_space<vmem>>)
      %ge3A_139 = arith.constant 2 : i32
      %ge3A_140 = arith.cmpi sge, %add3A_134, %ge3A_139 : i32
      %convert_element_type3A_141 = arith.extui %ge3A_140 : i1 to i32
      %cond3A_142 = arith.constant 0 : i32
      %cond3A_143 = arith.cmpi ne, %convert_element_type3A_141, %cond3A_142 : i32
      scf.if %cond3A_143 {
        %mul3A_160 = arith.constant 4 : i32
        %mul3A_161 = arith.muli %add3A_134, %mul3A_160 : i32
        %dma_wait3A_162 = tpu.memref_slice %arg6[%mul3A_161, %mul3A_2] : memref<128x98304xf32, #tpu.memory_space<hbm>> -> memref<4x3072xf32, #tpu.memory_space<hbm>>
        %dma_wait3A_163 = tpu.memref_slice %arg6[%mul3A_161, %mul3A_2] : memref<128x98304xf32, #tpu.memory_space<hbm>> -> memref<4x3072xf32, #tpu.memory_space<hbm>>
        tpu.wait_dma2 semaphore(%arg18 : memref<!tpu.dma_semaphore, #tpu.memory_space<semaphore_mem>>) src(%arg14 : memref<4x3072xf32, #tpu.memory_space<vmem>>) dst(%dma_wait3A_163 : memref<4x3072xf32, #tpu.memory_space<hbm>>)
      } else {
      }
      %scan3A_144 = arith.constant 0 : i32
      %scan3A_145 = arith.constant 192 : i32
      %scan3A_146 = arith.addi %scan3A_144, %scan3A_145 : i32
      %scan3A_147 = arith.constant 1 : i32
      scf.for %scan3A_160 = %scan3A_144 to %scan3A_146 step %scan3A_147  : i32 {
        %mul3A_161 = arith.constant 1 : i32
        %mul3A_162 = arith.muli %scan3A_160, %mul3A_161 : i32
        %add3A_163 = arith.constant 0 : i32
        %add3A_164 = arith.addi %add3A_163, %mul3A_162 : i32
        %mul3A_165 = arith.constant 16 : i32
        %mul3A_166 = arith.muli %add3A_164, %mul3A_165 : i32
        %get3A_167 = arith.constant 0 : i32
        %get3A_168 = arith.index_cast %get3A_167 : i32 to index
        %get3A_169 = arith.index_cast %mul3A_166 : i32 to index
        %get3A_170 = tpu.vector_load %arg8[%get3A_168, %get3A_169] {strides = array<i32>} : memref<9x3072xf32, #tpu.memory_space<vmem>>, vector<16xf32>,
        %get3A_171 = arith.constant 1 : i32
        %get3A_172 = arith.index_cast %get3A_171 : i32 to index
        %get3A_173 = arith.index_cast %mul3A_166 : i32 to index
        %get3A_174 = tpu.vector_load %arg8[%get3A_172, %get3A_173] {strides = array<i32>} : memref<9x3072xf32, #tpu.memory_space<vmem>>, vector<16xf32>,
        %get3A_175 = arith.constant 2 : i32
        %get3A_176 = arith.index_cast %get3A_175 : i32 to index
        %get3A_177 = arith.index_cast %mul3A_166 : i32 to index
        %get3A_178 = tpu.vector_load %arg8[%get3A_176, %get3A_177] {strides = array<i32>} : memref<9x3072xf32, #tpu.memory_space<vmem>>, vector<16xf32>,
        %get3A_179 = arith.constant 3 : i32
        %get3A_180 = arith.index_cast %get3A_179 : i32 to index
        %get3A_181 = arith.index_cast %mul3A_166 : i32 to index
        %get3A_182 = tpu.vector_load %arg8[%get3A_180, %get3A_181] {strides = array<i32>} : memref<9x3072xf32, #tpu.memory_space<vmem>>, vector<16xf32>,
        %get3A_183 = arith.constant 4 : i32
        %get3A_184 = arith.index_cast %get3A_183 : i32 to index
        %get3A_185 = arith.index_cast %mul3A_166 : i32 to index
        %get3A_186 = tpu.vector_load %arg8[%get3A_184, %get3A_185] {strides = array<i32>} : memref<9x3072xf32, #tpu.memory_space<vmem>>, vector<16xf32>,
        %get3A_187 = arith.constant 5 : i32
        %get3A_188 = arith.index_cast %get3A_187 : i32 to index
        %get3A_189 = arith.index_cast %mul3A_166 : i32 to index
        %get3A_190 = tpu.vector_load %arg8[%get3A_188, %get3A_189] {strides = array<i32>} : memref<9x3072xf32, #tpu.memory_space<vmem>>, vector<16xf32>,
        %get3A_191 = arith.constant 6 : i32
        %get3A_192 = arith.index_cast %get3A_191 : i32 to index
        %get3A_193 = arith.index_cast %mul3A_166 : i32 to index
        %get3A_194 = tpu.vector_load %arg8[%get3A_192, %get3A_193] {strides = array<i32>} : memref<9x3072xf32, #tpu.memory_space<vmem>>, vector<16xf32>,
        %get3A_195 = arith.constant 7 : i32
        %get3A_196 = arith.index_cast %get3A_195 : i32 to index
        %get3A_197 = arith.index_cast %mul3A_166 : i32 to index
        %get3A_198 = tpu.vector_load %arg8[%get3A_196, %get3A_197] {strides = array<i32>} : memref<9x3072xf32, #tpu.memory_space<vmem>>, vector<16xf32>,
        %get3A_199 = arith.constant 8 : i32
        %get3A_200 = arith.index_cast %get3A_199 : i32 to index
        %get3A_201 = arith.index_cast %mul3A_166 : i32 to index
        %get3A_202 = tpu.vector_load %arg8[%get3A_200, %get3A_201] {strides = array<i32>} : memref<9x3072xf32, #tpu.memory_space<vmem>>, vector<16xf32>,
        %get3A_203 = arith.constant 0 : i32
        %get3A_204 = arith.index_cast %get3A_203 : i32 to index
        %get3A_205 = arith.index_cast %mul3A_166 : i32 to index
        %get3A_206 = tpu.vector_load %arg12[%get3A_204, %get3A_205] {strides = array<i32>} : memref<4x3072xf32, #tpu.memory_space<vmem>>, vector<16xf32>,
        %mul3A_207 = arith.mulf %get3A_174, %get3A_206 : vector<16xf32>
        %add3A_208 = arith.addf %get3A_170, %mul3A_207 : vector<16xf32>
        %sub3A = arith.subf %get3A_206, %get3A_41 : vector<16xf32>
        %max3A = arith.constant 0.000000e+00 : f32
        %max3A_209 = vector.broadcast %max3A : f32 to vector<16xf32>
        %max3A_210 = arith.maximumf %sub3A, %max3A_209 : vector<16xf32>
        %mul3A_211 = arith.mulf %get3A_178, %max3A_210 : vector<16xf32>
        %sub3A_212 = arith.subf %get3A_206, %get3A_45 : vector<16xf32>
        %max3A_213 = arith.constant 0.000000e+00 : f32
        %max3A_214 = vector.broadcast %max3A_213 : f32 to vector<16xf32>
        %max3A_215 = arith.maximumf %sub3A_212, %max3A_214 : vector<16xf32>
        %mul3A_216 = arith.mulf %get3A_182, %max3A_215 : vector<16xf32>
        %sub3A_217 = arith.subf %get3A_206, %get3A_49 : vector<16xf32>
        %max3A_218 = arith.constant 0.000000e+00 : f32
        %max3A_219 = vector.broadcast %max3A_218 : f32 to vector<16xf32>
        %max3A_220 = arith.maximumf %sub3A_217, %max3A_219 : vector<16xf32>
        %mul3A_221 = arith.mulf %get3A_186, %max3A_220 : vector<16xf32>
        %sub3A_222 = arith.subf %get3A_206, %get3A_53 : vector<16xf32>
        %max3A_223 = arith.constant 0.000000e+00 : f32
        %max3A_224 = vector.broadcast %max3A_223 : f32 to vector<16xf32>
        %max3A_225 = arith.maximumf %sub3A_222, %max3A_224 : vector<16xf32>
        %mul3A_226 = arith.mulf %get3A_190, %max3A_225 : vector<16xf32>
        %sub3A_227 = arith.subf %get3A_206, %get3A_57 : vector<16xf32>
        %max3A_228 = arith.constant 0.000000e+00 : f32
        %max3A_229 = vector.broadcast %max3A_228 : f32 to vector<16xf32>
        %max3A_230 = arith.maximumf %sub3A_227, %max3A_229 : vector<16xf32>
        %mul3A_231 = arith.mulf %get3A_194, %max3A_230 : vector<16xf32>
        %sub3A_232 = arith.subf %get3A_206, %get3A_61 : vector<16xf32>
        %max3A_233 = arith.constant 0.000000e+00 : f32
        %max3A_234 = vector.broadcast %max3A_233 : f32 to vector<16xf32>
        %max3A_235 = arith.maximumf %sub3A_232, %max3A_234 : vector<16xf32>
        %mul3A_236 = arith.mulf %get3A_198, %max3A_235 : vector<16xf32>
        %sub3A_237 = arith.subf %get3A_206, %get3A_65 : vector<16xf32>
        %max3A_238 = arith.constant 0.000000e+00 : f32
        %max3A_239 = vector.broadcast %max3A_238 : f32 to vector<16xf32>
        %max3A_240 = arith.maximumf %sub3A_237, %max3A_239 : vector<16xf32>
        %mul3A_241 = arith.mulf %get3A_202, %max3A_240 : vector<16xf32>
        %add3A_242 = arith.addf %add3A_208, %mul3A_211 : vector<16xf32>
        %add3A_243 = arith.addf %mul3A_216, %mul3A_221 : vector<16xf32>
        %add3A_244 = arith.addf %mul3A_226, %mul3A_231 : vector<16xf32>
        %add3A_245 = arith.addf %mul3A_236, %mul3A_241 : vector<16xf32>
        %add3A_246 = arith.addf %add3A_242, %add3A_243 : vector<16xf32>
        %add3A_247 = arith.addf %add3A_244, %add3A_245 : vector<16xf32>
        %add3A_248 = arith.addf %add3A_246, %add3A_247 : vector<16xf32>
        %max3A_249 = arith.constant 0.000000e+00 : f32
        %max3A_250 = vector.broadcast %max3A_249 : f32 to vector<16xf32>
        %max3A_251 = arith.maximumf %add3A_248, %max3A_250 : vector<16xf32>
        %swap3A = arith.constant 0 : i32
        %swap3A_252 = arith.index_cast %swap3A : i32 to index
        %swap3A_253 = arith.index_cast %mul3A_166 : i32 to index
        %swap3A_254 = tpu.vector_load %arg14[%swap3A_252, %swap3A_253] {strides = array<i32>} : memref<4x3072xf32, #tpu.memory_space<vmem>>, vector<16xf32>,
        tpu.vector_store %arg14[%swap3A_252, %swap3A_253], %max3A_251 {strides = array<i32>} : memref<4x3072xf32, #tpu.memory_space<vmem>>, vector<16xf32>,
        %get3A_255 = arith.constant 1 : i32
        %get3A_256 = arith.index_cast %get3A_255 : i32 to index
        %get3A_257 = arith.index_cast %mul3A_166 : i32 to index
        %get3A_258 = tpu.vector_load %arg12[%get3A_256, %get3A_257] {strides = array<i32>} : memref<4x3072xf32, #tpu.memory_space<vmem>>, vector<16xf32>,
        %mul3A_259 = arith.mulf %get3A_174, %get3A_258 : vector<16xf32>
        %add3A_260 = arith.addf %get3A_170, %mul3A_259 : vector<16xf32>
        %sub3A_261 = arith.subf %get3A_258, %get3A_41 : vector<16xf32>
        %max3A_262 = arith.constant 0.000000e+00 : f32
        %max3A_263 = vector.broadcast %max3A_262 : f32 to vector<16xf32>
        %max3A_264 = arith.maximumf %sub3A_261, %max3A_263 : vector<16xf32>
        %mul3A_265 = arith.mulf %get3A_178, %max3A_264 : vector<16xf32>
        %sub3A_266 = arith.subf %get3A_258, %get3A_45 : vector<16xf32>
        %max3A_267 = arith.constant 0.000000e+00 : f32
        %max3A_268 = vector.broadcast %max3A_267 : f32 to vector<16xf32>
        %max3A_269 = arith.maximumf %sub3A_266, %max3A_268 : vector<16xf32>
        %mul3A_270 = arith.mulf %get3A_182, %max3A_269 : vector<16xf32>
        %sub3A_271 = arith.subf %get3A_258, %get3A_49 : vector<16xf32>
        %max3A_272 = arith.constant 0.000000e+00 : f32
        %max3A_273 = vector.broadcast %max3A_272 : f32 to vector<16xf32>
        %max3A_274 = arith.maximumf %sub3A_271, %max3A_273 : vector<16xf32>
        %mul3A_275 = arith.mulf %get3A_186, %max3A_274 : vector<16xf32>
        %sub3A_276 = arith.subf %get3A_258, %get3A_53 : vector<16xf32>
        %max3A_277 = arith.constant 0.000000e+00 : f32
        %max3A_278 = vector.broadcast %max3A_277 : f32 to vector<16xf32>
        %max3A_279 = arith.maximumf %sub3A_276, %max3A_278 : vector<16xf32>
        %mul3A_280 = arith.mulf %get3A_190, %max3A_279 : vector<16xf32>
        %sub3A_281 = arith.subf %get3A_258, %get3A_57 : vector<16xf32>
        %max3A_282 = arith.constant 0.000000e+00 : f32
        %max3A_283 = vector.broadcast %max3A_282 : f32 to vector<16xf32>
        %max3A_284 = arith.maximumf %sub3A_281, %max3A_283 : vector<16xf32>
        %mul3A_285 = arith.mulf %get3A_194, %max3A_284 : vector<16xf32>
        %sub3A_286 = arith.subf %get3A_258, %get3A_61 : vector<16xf32>
        %max3A_287 = arith.constant 0.000000e+00 : f32
        %max3A_288 = vector.broadcast %max3A_287 : f32 to vector<16xf32>
        %max3A_289 = arith.maximumf %sub3A_286, %max3A_288 : vector<16xf32>
        %mul3A_290 = arith.mulf %get3A_198, %max3A_289 : vector<16xf32>
        %sub3A_291 = arith.subf %get3A_258, %get3A_65 : vector<16xf32>
        %max3A_292 = arith.constant 0.000000e+00 : f32
        %max3A_293 = vector.broadcast %max3A_292 : f32 to vector<16xf32>
        %max3A_294 = arith.maximumf %sub3A_291, %max3A_293 : vector<16xf32>
        %mul3A_295 = arith.mulf %get3A_202, %max3A_294 : vector<16xf32>
        %add3A_296 = arith.addf %add3A_260, %mul3A_265 : vector<16xf32>
        %add3A_297 = arith.addf %mul3A_270, %mul3A_275 : vector<16xf32>
        %add3A_298 = arith.addf %mul3A_280, %mul3A_285 : vector<16xf32>
        %add3A_299 = arith.addf %mul3A_290, %mul3A_295 : vector<16xf32>
        %add3A_300 = arith.addf %add3A_296, %add3A_297 : vector<16xf32>
        %add3A_301 = arith.addf %add3A_298, %add3A_299 : vector<16xf32>
        %add3A_302 = arith.addf %add3A_300, %add3A_301 : vector<16xf32>
        %max3A_303 = arith.constant 0.000000e+00 : f32
        %max3A_304 = vector.broadcast %max3A_303 : f32 to vector<16xf32>
        %max3A_305 = arith.maximumf %add3A_302, %max3A_304 : vector<16xf32>
        %swap3A_306 = arith.constant 1 : i32
        %swap3A_307 = arith.index_cast %swap3A_306 : i32 to index
        %swap3A_308 = arith.index_cast %mul3A_166 : i32 to index
        %swap3A_309 = tpu.vector_load %arg14[%swap3A_307, %swap3A_308] {strides = array<i32>} : memref<4x3072xf32, #tpu.memory_space<vmem>>, vector<16xf32>,
        tpu.vector_store %arg14[%swap3A_307, %swap3A_308], %max3A_305 {strides = array<i32>} : memref<4x3072xf32, #tpu.memory_space<vmem>>, vector<16xf32>,
        %get3A_310 = arith.constant 2 : i32
        %get3A_311 = arith.index_cast %get3A_310 : i32 to index
        %get3A_312 = arith.index_cast %mul3A_166 : i32 to index
        %get3A_313 = tpu.vector_load %arg12[%get3A_311, %get3A_312] {strides = array<i32>} : memref<4x3072xf32, #tpu.memory_space<vmem>>, vector<16xf32>,
        %mul3A_314 = arith.mulf %get3A_174, %get3A_313 : vector<16xf32>
        %add3A_315 = arith.addf %get3A_170, %mul3A_314 : vector<16xf32>
        %sub3A_316 = arith.subf %get3A_313, %get3A_41 : vector<16xf32>
        %max3A_317 = arith.constant 0.000000e+00 : f32
        %max3A_318 = vector.broadcast %max3A_317 : f32 to vector<16xf32>
        %max3A_319 = arith.maximumf %sub3A_316, %max3A_318 : vector<16xf32>
        %mul3A_320 = arith.mulf %get3A_178, %max3A_319 : vector<16xf32>
        %sub3A_321 = arith.subf %get3A_313, %get3A_45 : vector<16xf32>
        %max3A_322 = arith.constant 0.000000e+00 : f32
        %max3A_323 = vector.broadcast %max3A_322 : f32 to vector<16xf32>
        %max3A_324 = arith.maximumf %sub3A_321, %max3A_323 : vector<16xf32>
        %mul3A_325 = arith.mulf %get3A_182, %max3A_324 : vector<16xf32>
        %sub3A_326 = arith.subf %get3A_313, %get3A_49 : vector<16xf32>
        %max3A_327 = arith.constant 0.000000e+00 : f32
        %max3A_328 = vector.broadcast %max3A_327 : f32 to vector<16xf32>
        %max3A_329 = arith.maximumf %sub3A_326, %max3A_328 : vector<16xf32>
        %mul3A_330 = arith.mulf %get3A_186, %max3A_329 : vector<16xf32>
        %sub3A_331 = arith.subf %get3A_313, %get3A_53 : vector<16xf32>
        %max3A_332 = arith.constant 0.000000e+00 : f32
        %max3A_333 = vector.broadcast %max3A_332 : f32 to vector<16xf32>
        %max3A_334 = arith.maximumf %sub3A_331, %max3A_333 : vector<16xf32>
        %mul3A_335 = arith.mulf %get3A_190, %max3A_334 : vector<16xf32>
        %sub3A_336 = arith.subf %get3A_313, %get3A_57 : vector<16xf32>
        %max3A_337 = arith.constant 0.000000e+00 : f32
        %max3A_338 = vector.broadcast %max3A_337 : f32 to vector<16xf32>
        %max3A_339 = arith.maximumf %sub3A_336, %max3A_338 : vector<16xf32>
        %mul3A_340 = arith.mulf %get3A_194, %max3A_339 : vector<16xf32>
        %sub3A_341 = arith.subf %get3A_313, %get3A_61 : vector<16xf32>
        %max3A_342 = arith.constant 0.000000e+00 : f32
        %max3A_343 = vector.broadcast %max3A_342 : f32 to vector<16xf32>
        %max3A_344 = arith.maximumf %sub3A_341, %max3A_343 : vector<16xf32>
        %mul3A_345 = arith.mulf %get3A_198, %max3A_344 : vector<16xf32>
        %sub3A_346 = arith.subf %get3A_313, %get3A_65 : vector<16xf32>
        %max3A_347 = arith.constant 0.000000e+00 : f32
        %max3A_348 = vector.broadcast %max3A_347 : f32 to vector<16xf32>
        %max3A_349 = arith.maximumf %sub3A_346, %max3A_348 : vector<16xf32>
        %mul3A_350 = arith.mulf %get3A_202, %max3A_349 : vector<16xf32>
        %add3A_351 = arith.addf %add3A_315, %mul3A_320 : vector<16xf32>
        %add3A_352 = arith.addf %mul3A_325, %mul3A_330 : vector<16xf32>
        %add3A_353 = arith.addf %mul3A_335, %mul3A_340 : vector<16xf32>
        %add3A_354 = arith.addf %mul3A_345, %mul3A_350 : vector<16xf32>
        %add3A_355 = arith.addf %add3A_351, %add3A_352 : vector<16xf32>
        %add3A_356 = arith.addf %add3A_353, %add3A_354 : vector<16xf32>
        %add3A_357 = arith.addf %add3A_355, %add3A_356 : vector<16xf32>
        %max3A_358 = arith.constant 0.000000e+00 : f32
        %max3A_359 = vector.broadcast %max3A_358 : f32 to vector<16xf32>
        %max3A_360 = arith.maximumf %add3A_357, %max3A_359 : vector<16xf32>
        %swap3A_361 = arith.constant 2 : i32
        %swap3A_362 = arith.index_cast %swap3A_361 : i32 to index
        %swap3A_363 = arith.index_cast %mul3A_166 : i32 to index
        %swap3A_364 = tpu.vector_load %arg14[%swap3A_362, %swap3A_363] {strides = array<i32>} : memref<4x3072xf32, #tpu.memory_space<vmem>>, vector<16xf32>,
        tpu.vector_store %arg14[%swap3A_362, %swap3A_363], %max3A_360 {strides = array<i32>} : memref<4x3072xf32, #tpu.memory_space<vmem>>, vector<16xf32>,
        %get3A_365 = arith.constant 3 : i32
        %get3A_366 = arith.index_cast %get3A_365 : i32 to index
        %get3A_367 = arith.index_cast %mul3A_166 : i32 to index
        %get3A_368 = tpu.vector_load %arg12[%get3A_366, %get3A_367] {strides = array<i32>} : memref<4x3072xf32, #tpu.memory_space<vmem>>, vector<16xf32>,
        %mul3A_369 = arith.mulf %get3A_174, %get3A_368 : vector<16xf32>
        %add3A_370 = arith.addf %get3A_170, %mul3A_369 : vector<16xf32>
        %sub3A_371 = arith.subf %get3A_368, %get3A_41 : vector<16xf32>
        %max3A_372 = arith.constant 0.000000e+00 : f32
        %max3A_373 = vector.broadcast %max3A_372 : f32 to vector<16xf32>
        %max3A_374 = arith.maximumf %sub3A_371, %max3A_373 : vector<16xf32>
        %mul3A_375 = arith.mulf %get3A_178, %max3A_374 : vector<16xf32>
        %sub3A_376 = arith.subf %get3A_368, %get3A_45 : vector<16xf32>
        %max3A_377 = arith.constant 0.000000e+00 : f32
        %max3A_378 = vector.broadcast %max3A_377 : f32 to vector<16xf32>
        %max3A_379 = arith.maximumf %sub3A_376, %max3A_378 : vector<16xf32>
        %mul3A_380 = arith.mulf %get3A_182, %max3A_379 : vector<16xf32>
        %sub3A_381 = arith.subf %get3A_368, %get3A_49 : vector<16xf32>
        %max3A_382 = arith.constant 0.000000e+00 : f32
        %max3A_383 = vector.broadcast %max3A_382 : f32 to vector<16xf32>
        %max3A_384 = arith.maximumf %sub3A_381, %max3A_383 : vector<16xf32>
        %mul3A_385 = arith.mulf %get3A_186, %max3A_384 : vector<16xf32>
        %sub3A_386 = arith.subf %get3A_368, %get3A_53 : vector<16xf32>
        %max3A_387 = arith.constant 0.000000e+00 : f32
        %max3A_388 = vector.broadcast %max3A_387 : f32 to vector<16xf32>
        %max3A_389 = arith.maximumf %sub3A_386, %max3A_388 : vector<16xf32>
        %mul3A_390 = arith.mulf %get3A_190, %max3A_389 : vector<16xf32>
        %sub3A_391 = arith.subf %get3A_368, %get3A_57 : vector<16xf32>
        %max3A_392 = arith.constant 0.000000e+00 : f32
        %max3A_393 = vector.broadcast %max3A_392 : f32 to vector<16xf32>
        %max3A_394 = arith.maximumf %sub3A_391, %max3A_393 : vector<16xf32>
        %mul3A_395 = arith.mulf %get3A_194, %max3A_394 : vector<16xf32>
        %sub3A_396 = arith.subf %get3A_368, %get3A_61 : vector<16xf32>
        %max3A_397 = arith.constant 0.000000e+00 : f32
        %max3A_398 = vector.broadcast %max3A_397 : f32 to vector<16xf32>
        %max3A_399 = arith.maximumf %sub3A_396, %max3A_398 : vector<16xf32>
        %mul3A_400 = arith.mulf %get3A_198, %max3A_399 : vector<16xf32>
        %sub3A_401 = arith.subf %get3A_368, %get3A_65 : vector<16xf32>
        %max3A_402 = arith.constant 0.000000e+00 : f32
        %max3A_403 = vector.broadcast %max3A_402 : f32 to vector<16xf32>
        %max3A_404 = arith.maximumf %sub3A_401, %max3A_403 : vector<16xf32>
        %mul3A_405 = arith.mulf %get3A_202, %max3A_404 : vector<16xf32>
        %add3A_406 = arith.addf %add3A_370, %mul3A_375 : vector<16xf32>
        %add3A_407 = arith.addf %mul3A_380, %mul3A_385 : vector<16xf32>
        %add3A_408 = arith.addf %mul3A_390, %mul3A_395 : vector<16xf32>
        %add3A_409 = arith.addf %mul3A_400, %mul3A_405 : vector<16xf32>
        %add3A_410 = arith.addf %add3A_406, %add3A_407 : vector<16xf32>
        %add3A_411 = arith.addf %add3A_408, %add3A_409 : vector<16xf32>
        %add3A_412 = arith.addf %add3A_410, %add3A_411 : vector<16xf32>
        %max3A_413 = arith.constant 0.000000e+00 : f32
        %max3A_414 = vector.broadcast %max3A_413 : f32 to vector<16xf32>
        %max3A_415 = arith.maximumf %add3A_412, %max3A_414 : vector<16xf32>
        %swap3A_416 = arith.constant 3 : i32
        %swap3A_417 = arith.index_cast %swap3A_416 : i32 to index
        %swap3A_418 = arith.index_cast %mul3A_166 : i32 to index
        %swap3A_419 = tpu.vector_load %arg14[%swap3A_417, %swap3A_418] {strides = array<i32>} : memref<4x3072xf32, #tpu.memory_space<vmem>>, vector<16xf32>,
        tpu.vector_store %arg14[%swap3A_417, %swap3A_418], %max3A_415 {strides = array<i32>} : memref<4x3072xf32, #tpu.memory_space<vmem>>, vector<16xf32>,
      }
      %scan3A_148 = arith.constant 192 : i32
      %add3A_149 = arith.constant 2 : i32
      %add3A_150 = arith.addi %add3A_134, %add3A_149 : i32
      %lt3A_151 = arith.constant 32 : i32
      %lt3A_152 = arith.cmpi slt, %add3A_150, %lt3A_151 : i32
      %convert_element_type3A_153 = arith.extui %lt3A_152 : i1 to i32
      %cond3A_154 = arith.constant 0 : i32
      %cond3A_155 = arith.cmpi ne, %convert_element_type3A_153, %cond3A_154 : i32
      scf.if %cond3A_155 {
        %add3A_160 = arith.constant 2 : i32
        %add3A_161 = arith.addi %add3A_134, %add3A_160 : i32
        %mul3A_162 = arith.constant 4 : i32
        %mul3A_163 = arith.muli %add3A_161, %mul3A_162 : i32
        %dma_start3A_164 = tpu.memref_slice %arg3[%mul3A_163, %mul3A_2] : memref<128x98304xf32, #tpu.memory_space<hbm>> -> memref<4x3072xf32, #tpu.memory_space<hbm>>
        %dma_start3A_165 = tpu.memref_slice %arg3[%mul3A_163, %mul3A_2] : memref<128x98304xf32, #tpu.memory_space<hbm>> -> memref<4x3072xf32, #tpu.memory_space<hbm>>
        tpu.enqueue_dma source(%dma_start3A_165 : memref<4x3072xf32, #tpu.memory_space<hbm>>) target(%arg12 : memref<4x3072xf32, #tpu.memory_space<vmem>>) target_semaphore(%arg16 : memref<!tpu.dma_semaphore, #tpu.memory_space<semaphore_mem>>)
      } else {
      }
      %mul3A_156 = arith.constant 4 : i32
      %mul3A_157 = arith.muli %add3A_134, %mul3A_156 : i32
      %dma_start3A_158 = tpu.memref_slice %arg6[%mul3A_157, %mul3A_2] : memref<128x98304xf32, #tpu.memory_space<hbm>> -> memref<4x3072xf32, #tpu.memory_space<hbm>>
      %dma_start3A_159 = tpu.memref_slice %arg6[%mul3A_157, %mul3A_2] : memref<128x98304xf32, #tpu.memory_space<hbm>> -> memref<4x3072xf32, #tpu.memory_space<hbm>>
      tpu.enqueue_dma source(%arg14 : memref<4x3072xf32, #tpu.memory_space<vmem>>) target(%dma_start3A_159 : memref<4x3072xf32, #tpu.memory_space<hbm>>) target_semaphore(%arg18 : memref<!tpu.dma_semaphore, #tpu.memory_space<semaphore_mem>>)
    }
    %scan3A_97 = arith.constant 16 : i32
    %dma_wait3A = arith.constant 120 : i32
    %dma_wait3A_98 = tpu.memref_slice %arg6[%dma_wait3A, %mul3A_2] : memref<128x98304xf32, #tpu.memory_space<hbm>> -> memref<4x3072xf32, #tpu.memory_space<hbm>>
    %dma_wait3A_99 = arith.constant 120 : i32
    %dma_wait3A_100 = tpu.memref_slice %arg6[%dma_wait3A_99, %mul3A_2] : memref<128x98304xf32, #tpu.memory_space<hbm>> -> memref<4x3072xf32, #tpu.memory_space<hbm>>
    tpu.wait_dma2 semaphore(%arg17 : memref<!tpu.dma_semaphore, #tpu.memory_space<semaphore_mem>>) src(%arg13 : memref<4x3072xf32, #tpu.memory_space<vmem>>) dst(%dma_wait3A_100 : memref<4x3072xf32, #tpu.memory_space<hbm>>)
    %dma_wait3A_101 = arith.constant 124 : i32
    %dma_wait3A_102 = tpu.memref_slice %arg6[%dma_wait3A_101, %mul3A_2] : memref<128x98304xf32, #tpu.memory_space<hbm>> -> memref<4x3072xf32, #tpu.memory_space<hbm>>
    %dma_wait3A_103 = arith.constant 124 : i32
    %dma_wait3A_104 = tpu.memref_slice %arg6[%dma_wait3A_103, %mul3A_2] : memref<128x98304xf32, #tpu.memory_space<hbm>> -> memref<4x3072xf32, #tpu.memory_space<hbm>>
    tpu.wait_dma2 semaphore(%arg18 : memref<!tpu.dma_semaphore, #tpu.memory_space<semaphore_mem>>) src(%arg14 : memref<4x3072xf32, #tpu.memory_space<vmem>>) dst(%dma_wait3A_104 : memref<4x3072xf32, #tpu.memory_space<hbm>>)
    return
  }
}

</mosaic_0001>

<sc_bundles>
// kernel: kernel.3.cloned.1.call-start
scs
__scs_entry_jumppad:
0x0: {  	(pc) =	sbr.rel $0x88, $3  }
0x1: {  	(tag) =	ssettag $0x0;
	lr =	simm.s32 $0x1  }
0x2: {  	[smem:$0x3F9E] =	sst lr;
	_ =	strace $0xD0000000  }
0x3: {  	_ = 	snop  }
0x4: {  	_ = 	snop  }
0x5: {  	_ = 	snop  }
0x6: {  	_ = 	snop  }
0x7: {  	_ = 	snop  }
__scs_overlays_trampoline_lowered:
0x8: {  	[smem:$0x3FAD] =	sst s0  }
0x9: {  	[smem:$0x3FAE] =	sst s1  }
0xa: {  	[smem:$0x3FAF] =	sst s2  }
0xb: {  	[smem:$0x3FB0] =	sst s3  }
0xc: {  	[smem:$0x3FB1] =	sst s4  }
0xd: {  	[smem:$0x3FB2] =	sst s5  }
0xe: {  	[smem:$0x3FB3] =	sst s6  }
0xf: {  	[smem:$0x3FB4] =	sst s7  }
0x10: {  	[smem:$0x3FB5] =	sst s8  }
0x11: {  	[smem:$0x3FB6] =	sst s9;
	s0 =	simm.s32 @!p0 $0x0  }
0x12: {  	s1 =	sld [smem:$0x3F9C];
	s0 =	simm.s32 @p0 $0x1  }
0x13: {  	[smem:$0x3FB7] =	sst s0;
	s0 =	simm.s32 @!p1 $0x0  }
0x14: {  	s2 =	sld [smem:$0x3F9B];
	s0 =	simm.s32 @p1 $0x1  }
0x15: {  	[smem:$0x3FB8] =	sst s0;
	s0 =	simm.s32 @!p2 $0x0  }
0x16: {  	s3 =	sld [smem:$0x3FDB];
	s0 =	simm.s32 @p2 $0x1  }
0x17: {  	s4 =	simm.s32 $0x1BF5;
	[smem:$0x3FBA] =	sst s0  }
0x18: {  	s0 =	sld [smem:$0x3F9D];
	_ =	swait.ge [sflag:s4], $0x0  }
0x19: {  	s7 =	sld [smem:$0x3F9E]  }
0x1a: {  	s8 =	sadd.s32 $0xFFFFE003, lr  }
0x1b: {  	s9 =	sadd.s32 $0xFFFFFEF7, lr;
	s5 =	simm.s32 $0xFFFFFFFF;
	p2 =	slt.u32 s8, $0xFFFFF086  }
0x1c: {  	p1 =	slt.u32 s9, $0xF7A;
	s5 =	simm.s32 @!p2 $0x0  }
0x1d: {  	s5 =	simm.s32 @p1 $0x1;
	p0 =	seq.s32 s7, s2  }
0x1e: {  	s7 =	smul.u32 @!p0 $0xF7A, s2;
	p2 =	seq.s32 @!p0 s5, $0x0  }
0x1f: {  	s9 =	smul.u32 $0xF7A, s1;
	s8 =	simm.s32 @!p0 $0x1BF5;
	p2 =	por !p2, p0  }
0x20: {  	[sflag:s8] =	ssyncset.s32 @!p0 $0xFFFFF086;
	s6 =	sadd.s32 @!p0 s3, s7;
	s7 =	simm.s32 @!p0 $0x108  }
0x21: {  	s3 =	sadd.s32 s3, s9;
	s6 =	sadd.s32 @!p0 $0x88, s6;
	s7 =	simm.s32 @p2 $0x1082  }
0x22: {  	[simem:s7], [sflag:s8] =	dma.local @!p0 [hbm:s6], $0xF7A  }
0x23: {  	s9 =	sor.u32 $0xD0000000, s2;
	s6 =	simm.s32 $0x108;
	_ =	swait.ge @!p0 [sflag:s8], $0x0  }
0x24: {  	s3 =	sadd.s32 $0x88, s3;
	s6 =	simm.s32 @!p1 $0x1082;
	[sflag:s4] =	ssyncset.s32 $0xFFFFF086  }
0x25: {  	[simem:s6], [sflag:s4] =	dma.local [hbm:s3], $0xF7A  }
0x26: {  	[smem:$0x3F9E] =	sst s1;
	(tag) =	ssettag s2;
	_ =	strace s9  }
0x27: {  	s1 =	sld [smem:$0x3FAE]  }
0x28: {  	s2 =	sld [smem:$0x3FAF]  }
0x29: {  	s4 =	sld [smem:$0x3FB1]  }
0x2a: {  	p0 =	seq.s32 s5, $0x0;
	s5 =	sld [smem:$0x3FB2]  }
0x2b: {  	s6 =	sld [smem:$0x3FB3]  }
0x2c: {  	s7 =	sld [smem:$0x3FB4]  }
0x2d: {  	s3 =	simm.s32 $0x108;
	s8 =	sld [smem:$0x3FB5]  }
0x2e: {  	s3 =	simm.s32 @!p0 $0x1082;
	s9 =	sld [smem:$0x3FB6]  }
0x2f: {  	lr =	sadd.s32 s0, s3;
	s0 =	sld [smem:$0x3FAD]  }
0x30: {  	s3 =	sld [smem:$0x3FB0]  }
0x31: {  	[smem:$0x3FB9] =	sst s10  }
0x32: {  	s10 =	sld [smem:$0x3FB7];
	_ =	sdelay $0x3  }
0x33: {  	p0 =	seq.s32 s10, $0x1;
	s10 =	sld [smem:$0x3FB9];
	_ =	sdelay $0x3  }
0x34: {  	[smem:$0x3FB9] =	sst s10  }
0x35: {  	s10 =	sld [smem:$0x3FB8];
	_ =	sdelay $0x3  }
0x36: {  	p1 =	seq.s32 s10, $0x1;
	s10 =	sld [smem:$0x3FB9];
	_ =	sdelay $0x3  }
0x37: {  	[smem:$0x3FB9] =	sst s10  }
0x38: {  	s10 =	sld [smem:$0x3FBA]  }
0x39: {  	_ = 	snop;
	(pc) =	sbr.ind lr, $3  }
0x3a: {  	_ = 	snop  }
0x3b: {  	_ = 	snop  }
0x3c: {  	p2 =	seq.s32 s10, $0x1;
	s10 =	sld [smem:$0x3FB9]  }
0x3d: {  	_ =	shalt  }
0x3e: {  	_ =	shalt  }
0x3f: {  	_ =	shalt  }
0x40: {  	_ =	shalt  }
0x41: {  	_ =	shalt  }
0x42: {  	_ =	shalt  }
0x43: {  	_ =	shalt  }
0x44: {  	_ =	shalt  }
0x45: {  	_ =	shalt  }
0x46: {  	_ =	shalt  }
0x47: {  	_ =	shalt  }
0x48: {  	_ =	shalt  }
0x49: {  	_ =	shalt  }
0x4a: {  	_ =	shalt  }
0x4b: {  	_ =	shalt  }
0x4c: {  	_ =	shalt  }
0x4d: {  	_ =	shalt  }
0x4e: {  	_ =	shalt  }
0x4f: {  	_ =	shalt  }
0x50: {  	_ =	shalt  }
0x51: {  	_ =	shalt  }
0x52: {  	_ =	shalt  }
0x53: {  	_ =	shalt  }
0x54: {  	_ =	shalt  }
0x55: {  	_ =	shalt  }
0x56: {  	_ =	shalt  }
0x57: {  	_ =	shalt  }
0x58: {  	_ =	shalt  }
0x59: {  	_ =	shalt  }
0x5a: {  	_ =	shalt  }
0x5b: {  	_ =	shalt  }
0x5c: {  	_ =	shalt  }
0x5d: {  	_ =	shalt  }
0x5e: {  	_ =	shalt  }
0x5f: {  	_ =	shalt  }
0x60: {  	_ =	shalt  }
0x61: {  	_ =	shalt  }
0x62: {  	_ =	shalt  }
0x63: {  	_ =	shalt  }
0x64: {  	_ =	shalt  }
0x65: {  	_ =	shalt  }
0x66: {  	_ =	shalt  }
0x67: {  	_ =	shalt  }
0x68: {  	_ =	shalt  }
0x69: {  	_ =	shalt  }
0x6a: {  	_ =	shalt  }
0x6b: {  	_ =	shalt  }
0x6c: {  	_ =	shalt  }
0x6d: {  	_ =	shalt  }
0x6e: {  	_ =	shalt  }
0x6f: {  	_ =	shalt  }
0x70: {  	_ =	shalt  }
0x71: {  	_ =	shalt  }
0x72: {  	_ =	shalt  }
0x73: {  	_ =	shalt  }
0x74: {  	_ =	shalt  }
0x75: {  	_ =	shalt  }
0x76: {  	_ =	shalt  }
0x77: {  	_ =	shalt  }
0x78: {  	_ =	shalt  }
0x79: {  	_ =	shalt  }
0x7a: {  	_ =	shalt  }
0x7b: {  	_ =	shalt  }
0x7c: {  	_ =	shalt  }
0x7d: {  	_ =	shalt  }
0x7e: {  	_ =	shalt  }
0x7f: {  	_ =	shalt  }
0x80: {  	_ =	shalt  }
0x81: {  	_ =	shalt  }
0x82: {  	_ =	shalt  }
0x83: {  	_ =	shalt  }
0x84: {  	_ =	shalt  }
0x85: {  	_ =	shalt  }
0x86: {  	_ =	shalt  }
0x87: {  	_ =	shalt  }
.Lfunc_end0:
.L_simem_size_0:
called_computation.1_lowered:
.L_overlay_start_0:
0x88: {  	s2 =	sld [smem:$0x3FD9]  }
0x89: {  	s3 =	sld [smem:$0x3FFE];
	_ =	sdelay $0x1  }
0x8a: {  	s1 =	srdreg.scid  }
0x8b: {  	s0 =	sand.u32 $0x1, s1  }
0x8c: {  	s17 =	sshll.u32 s0, $0xA;
	s2 =	sadd.s32 s3, s2  }
0x8d: {  	s2 =	sadd.s32 s2, s17  }
0x8e: {  	[smem:$0x3FC5] =	sst s2  }
0x8f: {  	_ = 	snop  }
0x90: {  	s2 =	sld [smem:$0x3FD0];
	(tm) =	ssettm $0x1  }
0x91: {  	s18 =	sld [smem:$0x3FFB];
	_ =	sdelay $0x3  }
0x92: {  	_ =	strace s18  }
0x93: {  	s3 =	sld [smem:$0x3FFC];
	_ =	sdelay $0x3  }
0x94: {  	_ =	strace s3  }
0x95: {  	s3 =	sld [smem:$0x3FFD];
	_ =	sdelay $0x3  }
0x96: {  	_ =	strace s3  }
0x97: {  	_ =	strace $0x8FFFFFFF  }
0x98: {  	s19 =	sld [smem:$0x3FDB];
	_ =	sdelay $0x1  }
0x99: {  	s4 =	simm.s32 $_scs_section_size  }
0x9a: {  	s5 =	simm.s32 $_size__tile_overlayer_lowered;
	s6 =	simm.s32 $_tile_overlayer_lowered  }
0x9b: {  	s22 =	simm.s32 $0x1BFF;
	s21 =	sshll.u32 s6, $0x1;
	s3 =	sadd.s32 s4, s19  }
0x9c: {  	s7 =	simm.s32 $0x0;
	s20 =	sshll.u32 s5, $0x1;
	s5 =	sadd.s32 s21, s3  }
0x9d: {  	[timem:s7], [sflag:s22] =	dma.local [hbm:s5], s20  }
0x9e: {  	_ =	swait.ge [sflag:s22], s20  }
0x9f: {  	s4 =	ssub.s32 $0x0, s20;
	[sflag:s22] =	ssyncset.done $0x0  }
0xa0: {  	[sflag:s22] =	ssyncadd.s32 s4;
	_ =	sdelay $0x1  }
0xa1: {  	s23 =	simm.s32 $0x1B8B  }
0xa2: {  	_ =	swait.ge [sflag:s23], $0x1  }
0xa3: {  	[sflag:s23] =	ssyncset.done $0x0  }
0xa4: {  	s25 =	simm.s32 $0x1B8E;
	s24 =	sld [smem:$0x3FFE];
	[sflag:s23] =	ssyncadd.s32 $0xFFFFFFFF  }
0xa5: {  	s26 =	simm.s32 $execute0_lowered;
	[smem:$0x3FD2] =	sst s25  }
0xa6: {  	s5 =	sshll.u32 s26, $0x1;
	_ =	strace $0x80000046;
	[dreg:$0x1] =	wrdreg $0xFFFFFFFF  }
0xa7: {  	s28 =	simm.s32 $_size_execute0_lowered;
	s3 =	sadd.s32 s3, s5;
	[dreg:$0x0] =	wrdreg $0x0  }
0xa8: {  	s5 =	sshll.u32 s28, $0x1;
	[dreg:$0x2] =	wrdreg s3  }
0xa9: {  	[dreg:$0x3] =	wrdreg s5  }
0xaa: {  	[dreg:$0x4] =	wrdreg $0xC0  }
0xab: {  	_ =	task [dreg:s7], $0x5FFFF  }
0xac: {  	[dreg:$0x1] =	wrdreg $0xFFFFFFFF  }
0xad: {  	[dreg:$0x0] =	wrdreg $0x60  }
0xae: {  	[dreg:$0x2] =	wrdreg s24  }
0xaf: {  	[dreg:$0x3] =	wrdreg s2  }
0xb0: {  	[dreg:$0x4] =	wrdreg $0x9  }
0xb1: {  	_ =	task.clear_ibuf [dreg:s7], $0x5FFFF;
	_ =	strace $0x90000046  }
0xb2: {  	s29 =	simm.s32 $0x9;
	_ =	strace $0x80000048  }
0xb3: {  	_ =	swait.ge [sflag:s29], $0x1  }
0xb4: {  	[sflag:s29] =	ssyncadd.s32 $0xFFFFFFFF  }
0xb5: {  	_ =	strace $0x90000048  }
0xb6: {  	_ =	sfence  }
0xb7: {  	s30 =	sld [smem:$0x0];
	_ =	sdelay $0x2  }
0xb8: {  	s31 =	sshll.u32 s1, $0xD;
	s1 =	sshrl.u32 s1, $0x2  }
0xb9: {  	s3 =	sand.u32 $0x4000, s31;
	s1 =	sadd.s32 s1, s30  }
0xba: {  	s0 =	sor.u32 s3, s0;
	s1 =	sshll.u32 s1, $0x11  }
0xbb: {  	s0 =	sor.u32 s1, s0  }
0xbc: {  	s0 =	sadd.s32 $0x8F2B, s0  }
0xbd: {  	[sflag:s0] =	ssyncadd.remote.s32 $0x1  }
0xbe: {  	_ =	sfence.sel $0xFFFF  }
0xbf: {  	[dreg:$0x0] =	wrdreg $0xFFFFFFFF;
	(pc) =	sbr.abs _section_cstart, $3  }
0xc0: {  	[dreg:$0x1] =	wrdreg $0xFFFFFFFF  }
0xc1: {  	_ =	task.clear_ibuf [dreg:s7], $0x2FFFF;
	_ =	strace $0x9FFFFFFF  }
0xc2: {  	(tm) =	ssettm $0x7FFFFFFF  }
0xc3: {  	_ =	shalt  }
tec
execute0_lowered:
.L_overlay_start_1:
0x0: {  	(tag) =	ssettag $0x1  }
0x1: {  	s0 =	srdreg.scid;
	s6 =	rddreg [dreg:$0x0]  }
0x2: {  	s1 =	stileid.u32;
	s2 =	rddreg [dreg:$0x1];
	s4 =	simm.s32 $0x0  }
0x3: {  	s18 =	simm.s32 $0x5;
	s20 =	simm.s32 $0x2000;
	s21 =	simm.s32 $0xC0000  }
0x4: {  	s22 =	simm.s32 $0x200;
	s28 =	simm.s32 $0x16800;
	s29 =	simm.s32 $0x2  }
0x5: {  	s30 =	simm.s32 $0x19800;
	s31 =	simm.s32 $0x3;
	s0 =	sand.u32 $0x1, s0  }
0x6: {  	s1 =	sshll.u32 s1, $0x1;
	[smem:$0x7FF] =	sst s4;
	s5 =	sadd.s32 $0x30A00, s6  }
0x7: {  	s8 =	sadd.s32 $0x1B0C00, s6;
	s9 =	sadd.s32 $0x1B0A00, s6;
	s1 =	sor.u32 s0, s1  }
0x8: {  	s11 =	sadd.s32 $0x30A40, s6;
	s15 =	sadd.s32 $0x40, s2;
	s3 =	smul.u32 $0x6000, s1  }
0x9: {  	_ =	strace $0x80000047;
	s0 =	ssub.s32 $0x2, s0;
	[dreg:$0x3] =	wrdreg s8  }
0xa: {  	[dreg:$0x4] =	wrdreg s9;
	s23 =	sshrl.u32 s0, $0x1;
	s1 =	sshrl.u32 s3, $0x3  }
0xb: {  	s0 =	ssub.s32 s0, s23;
	s23 =	simm.s32 $0x400;
	s26 =	sadd.s32 s5, s1  }
0xc: {  	s7 =	sadd.s32 s1, s6;
	s1 =	sadd.s32 s1, s11;
	[dreg:$0x8] =	wrdreg s26  }
0xd: {  	s14 =	sadd.s32 $0xC0000, s3;
	s24 =	sadd.s32 $0xA00, s7;
	[dreg:$0x9] =	wrdreg s1  }
0xe: {  	s16 =	smax.u32 s0, $0x1;
	s25 =	sadd.s32 $0xE00, s7;
	[dreg:$0x5] =	wrdreg s24  }
0xf: {  	s0 =	simm.s32 $0x0;
	s7 =	sadd.s32 $0x1200, s7;
	[dreg:$0x6] =	wrdreg s25  }
0x10: {  	s26 =	simm.s32 $0x1;
	s1 =	simm.s32 $0x4;
	[dreg:$0x7] =	wrdreg s7  }
.LBB2_1:
0x11: {  	s6 =	rddreg [dreg:$0x3];
	s7 =	simm.s32 $0x10000  }
0x12: {  	[tilespmem:s7], [sflag:$0x5] =	stream.linear.gather [hbm4b:s6+s4], $0x400, $0x38;
	[tilespmem:$0x1C800] =	vst v63  }
0x13: {  	_ =	swait.ge [sflag:s18], $0x400  }
0x14: {  	[sflag:s18] =	ssyncset.done $0x0  }
0x15: {  	s13 =	simm.s32 $0x10400;
	s12 =	rddreg [dreg:$0x4];
	[sflag:s18] =	ssyncadd.s32 $0xFFFFFC00  }
0x16: {  	[tilespmem:s13], [sflag:$0x5] =	stream.linear.gather [hbm4b:s12+s4], $0x400, $0x38;
	[tilespmem:$0x1C800] =	vst v63  }
0x17: {  	_ =	swait.ge [sflag:s18], $0x400  }
0x18: {  	[sflag:s18] =	ssyncset.done $0x0  }
0x19: {  	[sflag:s18] =	ssyncadd.s32 $0xFFFFFC00  }
0x1a: {  	v14 =	vld [tilespmem:$0x10400]  }
0x1b: {  	v10 =	vld [tilespmem:$0x10480]  }
0x1c: {  	v13 =	vld [tilespmem:$0x10500]  }
0x1d: {  	v9 =	vld [tilespmem:$0x10580]  }
0x1e: {  	v11 =	vld [tilespmem:$0x10600]  }
0x1f: {  	v12 =	vld [tilespmem:$0x10680]  }
0x20: {  	v8 =	vld [tilespmem:$0x10700]  }
0x21: {  	v7 =	vld [tilespmem:$0x10780]  }
0x22: {  	v15 =	vld [tilespmem:$0x10000]  }
0x23: {  	v0 =	vld [tilespmem:$0x10080]  }
0x24: {  	v1 =	vld [tilespmem:$0x10100]  }
0x25: {  	v2 =	vld [tilespmem:$0x10180]  }
0x26: {  	v3 =	vld [tilespmem:$0x10200]  }
0x27: {  	v4 =	vld [tilespmem:$0x10280]  }
0x28: {  	s17 =	rddreg [dreg:$0x5];
	v5 =	vld [tilespmem:$0x10300]  }
0x29: {  	v6 =	vld [tilespmem:$0x10380];
	[tilespmem:s4], [sflag:$0x5] =	stream.strided.gather [hbm4b:s17+s20], $0x4000, s21, s20, $0x38  }
0x2a: {  	_ =	swait.ge [sflag:s18], $0x4000  }
0x2b: {  	s19 =	sand.u32 $0x70, s4;
	s24 =	sand.u32 $0x1C00, s4;
	[sflag:s18] =	ssyncset.done $0x0  }
0x2c: {  	s6 =	sor.u32 s19, s24;
	[sflag:s18] =	ssyncadd.s32 $0xFFFFC000  }
0x2d: {  	v16 =	vld [tilespmem:s6+$0x80]  }
0x2e: {  	v17 =	vld [tilespmem:s6+$0x0]  }
0x2f: {  	v18 =	vld [tilespmem:s6+$0x100]  }
0x30: {  	v19 =	vld [tilespmem:s6+$0x180]  }
0x31: {  	v20 =	vld [tilespmem:s6+$0x200]  }
0x32: {  	v21 =	vld [tilespmem:s6+$0x280]  }
0x33: {  	s25 =	sor.u32 s4, s4;
	v16 =	vmax.f32 v17, v16  }
0x34: {  	s10 =	sor.u32 $0x380, s25;
	v23 =	vld [tilespmem:s6+$0x300];
	v22 =	vsub.f32 v16, v17;
	v18 =	vmax.f32 v16, v18  }
0x35: {  	v24 =	vld [tilespmem:s10+$0x0];
	v16 =	vsub.f32 v18, v16;
	v19 =	vmax.f32 v18, v19  }
0x36: {  	v22 =	vmul.f32 v22, v14;
	v18 =	vsub.f32 v19, v18;
	v20 =	vmax.f32 v19, v20  }
0x37: {  	v25 =	vld [tilespmem:s6+$0x2000];
	v16 =	vmul.f32 v16, v10;
	v19 =	vsub.f32 v20, v19;
	v21 =	vmax.f32 v20, v21  }
0x38: {  	v18 =	vmul.f32 v18, v13;
	v20 =	vsub.f32 v21, v20;
	v26 =	vmul.f32 v22, v15  }
0x39: {  	v23 =	vmax.f32 v21, v23;
	v19 =	vmul.f32 v19, v9;
	v27 =	vsub.f32 v16, v22  }
0x3a: {  	[tilespmem:s6+$0x4080] =	vst v22;
	v21 =	vsub.f32 v23, v21;
	v24 =	vmax.f32 v23, v24;
	v17 =	vsub.f32 v17, v26  }
0x3b: {  	v20 =	vmul.f32 v20, v11;
	v61 =	vsub.f32 v24, v23;
	v16 =	vsub.f32 v18, v16;
	[tilespmem:s6+$0x4100] =	vst v27  }
0x3c: {  	v62 =	vmax.f32 v24, v25;
	v21 =	vmul.f32 v21, v12;
	[tilespmem:s6+$0x4000] =	vst v17;
	v17 =	vsub.f32 v19, v18  }
0x3d: {  	v63 =	vsub.f32 v62, v24;
	v18 =	vmul.f32 v61, v8;
	[tilespmem:s6+$0x4180] =	vst v16;
	v16 =	vsub.f32 v20, v19  }
0x3e: {  	[tilespmem:s6+$0x4200] =	vst v17;
	v17 =	vsub.f32 v21, v20  }
0x3f: {  	s8 =	simm.s32 $0x80;
	s7 =	simm.s32 $0x10;
	v19 =	vmul.f32 v63, v7;
	[tilespmem:s6+$0x4280] =	vst v16;
	v16 =	vsub.f32 v18, v21  }
0x40: {  	s9 =	sand.u32 $0x70, s7;
	s17 =	sand.u32 $0x1C00, s8;
	[tilespmem:s6+$0x4300] =	vst v17  }
0x41: {  	s17 =	sor.u32 s9, s17;
	s9 =	simm.s32 $0x20;
	[tilespmem:s10+$0x4000] =	vst v16;
	v16 =	vsub.f32 v19, v18  }
.LBB2_2:
0x42: {  	p0 =	sne.s32 s9, $0x3F0;
	v17 =	vld [tilespmem:s17+$0x80]  }
0x43: {  	v18 =	vld [tilespmem:s17+$0x0];
	[tilespmem:s6+$0xA000] =	vst v16;
	s6 =	smov.u32 s17  }
0x44: {  	v16 =	vld [tilespmem:s6+$0x100]  }
0x45: {  	v19 =	vld [tilespmem:s6+$0x180]  }
0x46: {  	v20 =	vld [tilespmem:s6+$0x200]  }
0x47: {  	v21 =	vld [tilespmem:s6+$0x280]  }
0x48: {  	s10 =	sor.u32 s8, s7;
	s7 =	smov.u32 s9;
	v17 =	vmax.f32 v18, v17  }
0x49: {  	s10 =	sor.u32 $0x380, s10;
	v22 =	vsub.f32 v17, v18;
	v16 =	vmax.f32 v17, v16;
	v23 =	vld [tilespmem:s6+$0x300]  }
0x4a: {  	v17 =	vsub.f32 v16, v17;
	v19 =	vmax.f32 v16, v19;
	v24 =	vld [tilespmem:s10+$0x0]  }
0x4b: {  	v22 =	vmul.f32 v22, v14;
	v16 =	vsub.f32 v19, v16;
	v20 =	vmax.f32 v19, v20  }
0x4c: {  	v17 =	vmul.f32 v17, v10;
	v19 =	vsub.f32 v20, v19;
	v21 =	vmax.f32 v20, v21;
	v25 =	vld [tilespmem:s6+$0x2000]  }
0x4d: {  	v16 =	vmul.f32 v16, v13;
	v20 =	vsub.f32 v21, v20;
	v26 =	vmul.f32 v22, v15  }
0x4e: {  	v19 =	vmul.f32 v19, v9;
	v23 =	vmax.f32 v21, v23;
	v27 =	vsub.f32 v17, v22  }
0x4f: {  	v21 =	vsub.f32 v23, v21;
	v24 =	vmax.f32 v23, v24;
	v18 =	vsub.f32 v18, v26;
	[tilespmem:s6+$0x4080] =	vst v22  }
0x50: {  	v20 =	vmul.f32 v20, v11;
	v17 =	vsub.f32 v16, v17;
	v22 =	vsub.f32 v24, v23;
	[tilespmem:s6+$0x4100] =	vst v27  }
0x51: {  	v16 =	vsub.f32 v19, v16;
	v21 =	vmul.f32 v21, v12;
	v23 =	vmax.f32 v24, v25;
	[tilespmem:s6+$0x4000] =	vst v18  }
.Ltmp0:
0x52: {  	v18 =	vmul.f32 v22, v8;
	v22 =	vsub.f32 v23, v24;
	[tilespmem:s6+$0x4180] =	vst v17;
	v17 =	vsub.f32 v20, v19;
	(pc) =	sbr.rel @p0 .LBB2_2-.Ltmp0, $4  }
0x53: {  	[tilespmem:s6+$0x4200] =	vst v16;
	v16 =	vsub.f32 v21, v20  }
0x54: {  	s8 =	sadd.s32 $0x80, s8;
	v19 =	vmul.f32 v22, v7;
	[tilespmem:s6+$0x4280] =	vst v17;
	v17 =	vsub.f32 v18, v21  }
0x55: {  	s17 =	sand.u32 $0x70, s9;
	s19 =	sand.u32 $0x1C00, s8;
	[tilespmem:s6+$0x4300] =	vst v16  }
0x56: {  	s9 =	sadd.s32 $0x10, s9;
	s17 =	sor.u32 s17, s19;
	[tilespmem:s10+$0x4000] =	vst v17;
	v16 =	vsub.f32 v19, v18  }
0x57: {  	v17 =	vld [tilespmem:s17+$0x80]  }
0x58: {  	v18 =	vld [tilespmem:s17+$0x0];
	[tilespmem:s6+$0xA000] =	vst v16  }
0x59: {  	v16 =	vld [tilespmem:s17+$0x100];
	_ =	sdelay $0x1  }
0x5a: {  	v19 =	vld [tilespmem:s17+$0x180]  }
0x5b: {  	v20 =	vld [tilespmem:s17+$0x200]  }
0x5c: {  	v21 =	vld [tilespmem:s17+$0x280];
	v17 =	vmax.f32 v18, v17  }
0x5d: {  	s12 =	sor.u32 s8, s7;
	v22 =	vld [tilespmem:s17+$0x300];
	v23 =	vsub.f32 v17, v18;
	v16 =	vmax.f32 v17, v16  }
0x5e: {  	s6 =	sor.u32 $0x380, s12;
	v17 =	vsub.f32 v16, v17  }
0x5f: {  	v24 =	vld [tilespmem:s6+$0x0];
	v19 =	vmax.f32 v16, v19;
	v23 =	vmul.f32 v23, v14  }
0x60: {  	v25 =	vld [tilespmem:s17+$0x2000];
	v16 =	vsub.f32 v19, v16;
	v20 =	vmax.f32 v19, v20;
	v17 =	vmul.f32 v17, v10  }
0x61: {  	v19 =	vsub.f32 v20, v19;
	v21 =	vmax.f32 v20, v21;
	v26 =	vmul.f32 v23, v15  }
0x62: {  	v16 =	vmul.f32 v16, v13;
	v20 =	vsub.f32 v21, v20;
	v22 =	vmax.f32 v21, v22  }
0x63: {  	v19 =	vmul.f32 v19, v9;
	v27 =	vsub.f32 v17, v23;
	v21 =	vsub.f32 v22, v21  }
0x64: {  	[tilespmem:s17+$0x4080] =	vst v23;
	v24 =	vmax.f32 v22, v24;
	v18 =	vsub.f32 v18, v26;
	v20 =	vmul.f32 v20, v11  }
0x65: {  	v22 =	vsub.f32 v24, v22;
	v17 =	vsub.f32 v16, v17;
	v23 =	vmax.f32 v24, v25;
	[tilespmem:s17+$0x4100] =	vst v27  }
0x66: {  	v21 =	vmul.f32 v21, v12;
	[tilespmem:s17+$0x4000] =	vst v18;
	v16 =	vsub.f32 v19, v16;
	v18 =	vsub.f32 v23, v24  }
0x67: {  	v22 =	vmul.f32 v22, v8;
	[tilespmem:s17+$0x4180] =	vst v17;
	v17 =	vsub.f32 v20, v19  }
0x68: {  	[tilespmem:s17+$0x4200] =	vst v16;
	v16 =	vsub.f32 v21, v20;
	v18 =	vmul.f32 v18, v7  }
0x69: {  	[tilespmem:s17+$0x4280] =	vst v17;
	v17 =	vsub.f32 v22, v21  }
0x6a: {  	[tilespmem:s17+$0x4300] =	vst v16;
	v16 =	vsub.f32 v18, v22  }
0x6b: {  	[tilespmem:s6+$0x4000] =	vst v17  }
0x6c: {  	s13 =	simm.s32 $0x0;
	[tilespmem:s17+$0xA000] =	vst v16;
	s17 =	rddreg [dreg:$0x6]  }
0x6d: {  	[tilespmem:s13], [sflag:$0x5] =	stream.strided.gather [hbm4b:s17+s20], $0x4000, s21, s20, $0x38;
	[tilespmem:$0x1C800] =	vst v63  }
0x6e: {  	_ =	swait.ge [sflag:s18], $0x4000  }
0x6f: {  	s19 =	sand.u32 $0x70, s13;
	s24 =	sand.u32 $0x1C00, s13;
	[sflag:s18] =	ssyncset.done $0x0  }
0x70: {  	s7 =	sor.u32 s19, s24;
	[sflag:s18] =	ssyncadd.s32 $0xFFFFC000  }
0x71: {  	v16 =	vld [tilespmem:s7+$0x0]  }
0x72: {  	v17 =	vld [tilespmem:s7+$0x80]  }
0x73: {  	v18 =	vld [tilespmem:s7+$0x100]  }
0x74: {  	v19 =	vld [tilespmem:s7+$0x180]  }
0x75: {  	v20 =	vld [tilespmem:s7+$0x200]  }
0x76: {  	v21 =	vld [tilespmem:s7+$0x280]  }
0x77: {  	v22 =	vld [tilespmem:s7+$0x300];
	v17 =	vmax.f32 v16, v17  }
0x78: {  	v23 =	vsub.f32 v17, v16;
	v18 =	vmax.f32 v17, v18  }
0x79: {  	v19 =	vmax.f32 v18, v19  }
0x7a: {  	s6 =	sor.u32 s13, s13;
	v25 =	vsub.f32 v18, v17;
	v23 =	vmul.f32 v23, v14;
	v17 =	vmax.f32 v19, v20  }
0x7b: {  	s8 =	simm.s32 $0x10;
	s6 =	sor.u32 $0x380, s6;
	s17 =	simm.s32 $0x80;
	v18 =	vsub.f32 v19, v18;
	v20 =	vmax.f32 v17, v21  }
0x7c: {  	s25 =	sand.u32 $0x70, s8;
	s9 =	sand.u32 $0x1C00, s17;
	v24 =	vld [tilespmem:s6+$0x0];
	v19 =	vsub.f32 v17, v19;
	v21 =	vmul.f32 v23, v15;
	v29 =	vmax.f32 v20, v22  }
0x7d: {  	v28 =	vld [tilespmem:s7+$0x2000];
	s6 =	sor.u32 s25, s9;
	[tilespmem:s7+$0x6080] =	vst v23;
	v26 =	vsub.f32 v20, v17;
	v22 =	vmul.f32 v18, v13;
	v18 =	vsub.f32 v29, v20  }
0x7e: {  	v27 =	vmul.f32 v25, v10;
	v17 =	vld [tilespmem:s6+$0x100];
	v30 =	vmul.f32 v19, v9;
	v20 =	vsub.f32 v16, v21  }
0x7f: {  	v16 =	vld [tilespmem:s6+$0x0];
	v31 =	vmul.f32 v26, v11;
	v18 =	vmul.f32 v18, v12  }
0x80: {  	v32 =	vsub.f32 v27, v23;
	v21 =	vld [tilespmem:s6+$0x80];
	v23 =	vsub.f32 v30, v22;
	[tilespmem:s7+$0x6000] =	vst v20  }
0x81: {  	v25 =	vmax.f32 v29, v24;
	v22 =	vsub.f32 v22, v27;
	v19 =	vld [tilespmem:s6+$0x180];
	v27 =	vsub.f32 v18, v31  }
0x82: {  	s9 =	simm.s32 $0x20;
	v26 =	vsub.f32 v25, v29;
	v28 =	vmax.f32 v25, v28;
	v24 =	vsub.f32 v31, v30;
	v20 =	vld [tilespmem:s6+$0x200];
	[tilespmem:s7+$0x6100] =	vst v32  }
.LBB2_4:
0x83: {  	p0 =	sne.s32 s9, $0x3F0;
	v29 =	vld [tilespmem:s6+$0x280];
	v25 =	vsub.f32 v28, v25;
	[tilespmem:s7+$0x6300] =	vst v27;
	s10 =	smov.u32 s9;
	s9 =	sadd.s32 $0x10, s9  }
0x84: {  	v27 =	vld [tilespmem:s6+$0x300];
	v26 =	vmul.f32 v26, v8;
	[tilespmem:s7+$0x6200] =	vst v23  }
0x85: {  	v21 =	vmax.f32 v16, v21;
	v23 =	vmul.f32 v25, v7;
	[tilespmem:s7+$0x6280] =	vst v24  }
0x86: {  	v24 =	vsub.f32 v21, v16;
	v17 =	vmax.f32 v21, v17;
	v18 =	vsub.f32 v26, v18  }
0x87: {  	v21 =	vsub.f32 v17, v21;
	v19 =	vmax.f32 v17, v19;
	[tilespmem:s7+$0x6180] =	vst v22;
	v22 =	vsub.f32 v23, v26  }
0x88: {  	s19 =	sor.u32 s17, s8;
	s8 =	smov.u32 s10;
	v23 =	vmul.f32 v24, v14;
	v17 =	vsub.f32 v19, v17;
	v20 =	vmax.f32 v19, v20;
	[tilespmem:s7+$0x6380] =	vst v18  }
0x89: {  	s17 =	sadd.s32 $0x80, s17;
	s10 =	sor.u32 $0x380, s19;
	v18 =	vsub.f32 v20, v19;
	v19 =	vmax.f32 v20, v29;
	[tilespmem:s7+$0xC000] =	vst v22;
	s7 =	smov.u32 s6  }
0x8a: {  	s19 =	sand.u32 $0x1C00, s17;
	s6 =	sand.u32 $0x70, s8;
	v20 =	vsub.f32 v19, v20;
	v24 =	vmax.f32 v19, v27;
	v22 =	vld [tilespmem:s10+$0x0];
	v25 =	vmul.f32 v23, v15  }
0x8b: {  	s6 =	sor.u32 s6, s19;
	v26 =	vmul.f32 v17, v13;
	v19 =	vsub.f32 v24, v19;
	v28 =	vld [tilespmem:s7+$0x2000];
	[tilespmem:s7+$0x6080] =	vst v23  }
.Ltmp1:
0x8c: {  	v27 =	vmul.f32 v21, v10;
	v29 =	vmul.f32 v18, v9;
	v17 =	vld [tilespmem:s6+$0x100];
	v25 =	vsub.f32 v16, v25;
	(pc) =	sbr.rel @p0 .LBB2_4-.Ltmp1, $4  }
0x8d: {  	v30 =	vmul.f32 v20, v11;
	v16 =	vld [tilespmem:s6+$0x0];
	v18 =	vmul.f32 v19, v12  }
0x8e: {  	v31 =	vsub.f32 v27, v23;
	v23 =	vsub.f32 v29, v26;
	v21 =	vld [tilespmem:s6+$0x80];
	[tilespmem:s7+$0x6000] =	vst v25  }
0x8f: {  	v19 =	vld [tilespmem:s6+$0x180];
	v25 =	vmax.f32 v24, v22;
	v22 =	vsub.f32 v26, v27;
	v27 =	vsub.f32 v18, v30  }
0x90: {  	v20 =	vld [tilespmem:s6+$0x200];
	v26 =	vsub.f32 v25, v24;
	v28 =	vmax.f32 v25, v28;
	[tilespmem:s7+$0x6100] =	vst v31;
	v24 =	vsub.f32 v30, v29  }
0x91: {  	v25 =	vsub.f32 v28, v25  }
0x92: {  	v29 =	vld [tilespmem:s6+$0x280];
	[tilespmem:s7+$0x6300] =	vst v27;
	v26 =	vmul.f32 v26, v8  }
0x93: {  	v27 =	vld [tilespmem:s6+$0x300];
	[tilespmem:s7+$0x6200] =	vst v23;
	v23 =	vmul.f32 v25, v7  }
0x94: {  	[tilespmem:s7+$0x6280] =	vst v24;
	v21 =	vmax.f32 v16, v21;
	v18 =	vsub.f32 v26, v18  }
0x95: {  	[tilespmem:s7+$0x6180] =	vst v22;
	v17 =	vmax.f32 v21, v17;
	v22 =	vsub.f32 v23, v26  }
0x96: {  	s8 =	sor.u32 s17, s8;
	v23 =	vsub.f32 v21, v16;
	v19 =	vmax.f32 v17, v19;
	[tilespmem:s7+$0x6380] =	vst v18  }
0x97: {  	s8 =	sor.u32 $0x380, s8;
	v18 =	vmax.f32 v19, v20;
	[tilespmem:s7+$0xC000] =	vst v22  }
0x98: {  	v20 =	vmul.f32 v23, v14;
	v22 =	vmax.f32 v18, v29;
	v23 =	vld [tilespmem:s8+$0x0]  }
0x99: {  	v21 =	vsub.f32 v17, v21;
	v17 =	vsub.f32 v19, v17;
	v24 =	vmax.f32 v22, v27;
	v25 =	vld [tilespmem:s6+$0x2000]  }
0x9a: {  	v26 =	vsub.f32 v22, v18;
	v27 =	vmul.f32 v20, v15;
	v22 =	vsub.f32 v24, v22  }
0x9b: {  	v18 =	vsub.f32 v18, v19;
	v17 =	vmul.f32 v17, v13;
	v19 =	vmul.f32 v21, v10  }
0x9c: {  	v21 =	vmul.f32 v26, v11;
	v16 =	vsub.f32 v16, v27;
	v22 =	vmul.f32 v22, v12  }
0x9d: {  	[tilespmem:s6+$0x6080] =	vst v20;
	v18 =	vmul.f32 v18, v9;
	v20 =	vsub.f32 v19, v20;
	v23 =	vmax.f32 v24, v23  }
0x9e: {  	[tilespmem:s6+$0x6000] =	vst v16;
	v16 =	vsub.f32 v22, v21;
	v24 =	vsub.f32 v23, v24;
	v25 =	vmax.f32 v23, v25  }
0x9f: {  	v26 =	vsub.f32 v18, v17;
	[tilespmem:s6+$0x6100] =	vst v20;
	v20 =	vsub.f32 v25, v23  }
0xa0: {  	v18 =	vsub.f32 v21, v18;
	[tilespmem:s6+$0x6300] =	vst v16;
	v16 =	vmul.f32 v24, v8  }
0xa1: {  	v17 =	vsub.f32 v17, v19;
	[tilespmem:s6+$0x6200] =	vst v26;
	v19 =	vmul.f32 v20, v7  }
0xa2: {  	[tilespmem:s6+$0x6280] =	vst v18;
	v18 =	vsub.f32 v16, v22  }
0xa3: {  	[tilespmem:s6+$0x6180] =	vst v17;
	v16 =	vsub.f32 v19, v16  }
0xa4: {  	[tilespmem:s6+$0x6380] =	vst v18  }
0xa5: {  	s13 =	simm.s32 $0x0;
	s17 =	rddreg [dreg:$0x7];
	[tilespmem:s6+$0xC000] =	vst v16  }
0xa6: {  	[tilespmem:s13], [sflag:$0x5] =	stream.strided.gather [hbm4b:s17+s20], $0x4000, s21, s20, $0x38;
	[tilespmem:$0x1C800] =	vst v63  }
0xa7: {  	_ =	swait.ge [sflag:s18], $0x4000  }
0xa8: {  	s19 =	sand.u32 $0x70, s13;
	s24 =	sand.u32 $0x1C00, s13;
	[sflag:s18] =	ssyncset.done $0x0  }
0xa9: {  	s7 =	sor.u32 s19, s24;
	[sflag:s18] =	ssyncadd.s32 $0xFFFFC000  }
0xaa: {  	v16 =	vld [tilespmem:s7+$0x0]  }
0xab: {  	v17 =	vld [tilespmem:s7+$0x80]  }
0xac: {  	v18 =	vld [tilespmem:s7+$0x100]  }
0xad: {  	v19 =	vld [tilespmem:s7+$0x180]  }
0xae: {  	v20 =	vld [tilespmem:s7+$0x200]  }
0xaf: {  	v21 =	vld [tilespmem:s7+$0x280]  }
0xb0: {  	v22 =	vld [tilespmem:s7+$0x300];
	v17 =	vmax.f32 v16, v17  }
0xb1: {  	v23 =	vsub.f32 v17, v16;
	v18 =	vmax.f32 v17, v18  }
0xb2: {  	v19 =	vmax.f32 v18, v19  }
0xb3: {  	s6 =	sor.u32 s13, s13;
	v25 =	vsub.f32 v18, v17;
	v23 =	vmul.f32 v23, v14;
	v17 =	vmax.f32 v19, v20  }
0xb4: {  	s8 =	simm.s32 $0x10;
	s6 =	sor.u32 $0x380, s6;
	s17 =	simm.s32 $0x80;
	v18 =	vsub.f32 v19, v18;
	v20 =	vmax.f32 v17, v21  }
0xb5: {  	s25 =	sand.u32 $0x70, s8;
	s9 =	sand.u32 $0x1C00, s17;
	v24 =	vld [tilespmem:s6+$0x0];
	v19 =	vsub.f32 v17, v19;
	v21 =	vmul.f32 v23, v15;
	v29 =	vmax.f32 v20, v22  }
0xb6: {  	v28 =	vld [tilespmem:s7+$0x2000];
	s6 =	sor.u32 s25, s9;
	[tilespmem:s7+$0x8080] =	vst v23;
	v26 =	vsub.f32 v20, v17;
	v22 =	vmul.f32 v18, v13;
	v18 =	vsub.f32 v29, v20  }
0xb7: {  	v27 =	vmul.f32 v25, v10;
	v17 =	vld [tilespmem:s6+$0x100];
	v30 =	vmul.f32 v19, v9;
	v20 =	vsub.f32 v16, v21  }
0xb8: {  	v16 =	vld [tilespmem:s6+$0x0];
	v31 =	vmul.f32 v26, v11;
	v18 =	vmul.f32 v18, v12  }
0xb9: {  	v32 =	vsub.f32 v27, v23;
	v21 =	vld [tilespmem:s6+$0x80];
	v23 =	vsub.f32 v30, v22;
	[tilespmem:s7+$0x8000] =	vst v20  }
0xba: {  	v25 =	vmax.f32 v29, v24;
	v22 =	vsub.f32 v22, v27;
	v19 =	vld [tilespmem:s6+$0x180];
	v27 =	vsub.f32 v18, v31  }
0xbb: {  	s9 =	simm.s32 $0x20;
	v26 =	vsub.f32 v25, v29;
	v28 =	vmax.f32 v25, v28;
	v24 =	vsub.f32 v31, v30;
	v20 =	vld [tilespmem:s6+$0x200];
	[tilespmem:s7+$0x8100] =	vst v32  }
.LBB2_6:
0xbc: {  	p0 =	sne.s32 s9, $0x3F0;
	v29 =	vld [tilespmem:s6+$0x280];
	v25 =	vsub.f32 v28, v25;
	[tilespmem:s7+$0x8300] =	vst v27;
	s10 =	smov.u32 s9;
	s9 =	sadd.s32 $0x10, s9  }
0xbd: {  	v27 =	vld [tilespmem:s6+$0x300];
	v26 =	vmul.f32 v26, v8;
	[tilespmem:s7+$0x8200] =	vst v23  }
0xbe: {  	v21 =	vmax.f32 v16, v21;
	v23 =	vmul.f32 v25, v7;
	[tilespmem:s7+$0x8280] =	vst v24  }
0xbf: {  	v24 =	vsub.f32 v21, v16;
	v17 =	vmax.f32 v21, v17;
	v18 =	vsub.f32 v26, v18  }
0xc0: {  	v21 =	vsub.f32 v17, v21;
	v19 =	vmax.f32 v17, v19;
	[tilespmem:s7+$0x8180] =	vst v22;
	v22 =	vsub.f32 v23, v26  }
0xc1: {  	s19 =	sor.u32 s17, s8;
	s8 =	smov.u32 s10;
	v23 =	vmul.f32 v24, v14;
	v17 =	vsub.f32 v19, v17;
	v20 =	vmax.f32 v19, v20;
	[tilespmem:s7+$0x8380] =	vst v18  }
0xc2: {  	s17 =	sadd.s32 $0x80, s17;
	s10 =	sor.u32 $0x380, s19;
	v18 =	vsub.f32 v20, v19;
	v19 =	vmax.f32 v20, v29;
	[tilespmem:s7+$0xE000] =	vst v22;
	s7 =	smov.u32 s6  }
0xc3: {  	s19 =	sand.u32 $0x1C00, s17;
	s6 =	sand.u32 $0x70, s8;
	v20 =	vsub.f32 v19, v20;
	v24 =	vmax.f32 v19, v27;
	v22 =	vld [tilespmem:s10+$0x0];
	v25 =	vmul.f32 v23, v15  }
0xc4: {  	s6 =	sor.u32 s6, s19;
	v26 =	vmul.f32 v17, v13;
	v19 =	vsub.f32 v24, v19;
	v28 =	vld [tilespmem:s7+$0x2000];
	[tilespmem:s7+$0x8080] =	vst v23  }
.Ltmp2:
0xc5: {  	v27 =	vmul.f32 v21, v10;
	v29 =	vmul.f32 v18, v9;
	v17 =	vld [tilespmem:s6+$0x100];
	v25 =	vsub.f32 v16, v25;
	(pc) =	sbr.rel @p0 .LBB2_6-.Ltmp2, $4  }
0xc6: {  	v30 =	vmul.f32 v20, v11;
	v16 =	vld [tilespmem:s6+$0x0];
	v18 =	vmul.f32 v19, v12  }
0xc7: {  	v31 =	vsub.f32 v27, v23;
	v23 =	vsub.f32 v29, v26;
	v21 =	vld [tilespmem:s6+$0x80];
	[tilespmem:s7+$0x8000] =	vst v25  }
0xc8: {  	v19 =	vld [tilespmem:s6+$0x180];
	v25 =	vmax.f32 v24, v22;
	v22 =	vsub.f32 v26, v27;
	v27 =	vsub.f32 v18, v30  }
0xc9: {  	v20 =	vld [tilespmem:s6+$0x200];
	v26 =	vsub.f32 v25, v24;
	v28 =	vmax.f32 v25, v28;
	[tilespmem:s7+$0x8100] =	vst v31;
	v24 =	vsub.f32 v30, v29  }
0xca: {  	v25 =	vsub.f32 v28, v25  }
0xcb: {  	v29 =	vld [tilespmem:s6+$0x280];
	[tilespmem:s7+$0x8300] =	vst v27;
	v26 =	vmul.f32 v26, v8  }
0xcc: {  	v27 =	vld [tilespmem:s6+$0x300];
	[tilespmem:s7+$0x8200] =	vst v23;
	v51 =	vmul.f32 v25, v7  }
0xcd: {  	[tilespmem:s7+$0x8280] =	vst v24;
	v18 =	vsub.f32 v26, v18  }
0xce: {  	[tilespmem:s7+$0x8180] =	vst v22;
	v21 =	vmax.f32 v16, v21;
	v52 =	vsub.f32 v51, v26  }
0xcf: {  	s8 =	sor.u32 s17, s8;
	v17 =	vmax.f32 v21, v17;
	[tilespmem:s7+$0x8380] =	vst v18  }
0xd0: {  	s8 =	sor.u32 $0x380, s8;
	v53 =	vsub.f32 v21, v16;
	v19 =	vmax.f32 v17, v19;
	[tilespmem:s7+$0xE000] =	vst v52  }
0xd1: {  	v21 =	vsub.f32 v17, v21;
	v54 =	vmax.f32 v19, v20;
	v22 =	vld [tilespmem:s8+$0x0]  }
0xd2: {  	v14 =	vmul.f32 v53, v14;
	v17 =	vsub.f32 v19, v17;
	v20 =	vmax.f32 v54, v29;
	v24 =	vld [tilespmem:s6+$0x2000]  }
0xd3: {  	v18 =	vsub.f32 v54, v19;
	v10 =	vmul.f32 v21, v10;
	v55 =	vmax.f32 v20, v27  }
0xd4: {  	v56 =	vsub.f32 v20, v54;
	v15 =	vmul.f32 v14, v15;
	v13 =	vmul.f32 v17, v13  }
0xd5: {  	[tilespmem:s6+$0x8080] =	vst v14;
	v20 =	vsub.f32 v55, v20;
	v9 =	vmul.f32 v18, v9;
	v14 =	vsub.f32 v10, v14  }
0xd6: {  	v15 =	vsub.f32 v16, v15;
	v11 =	vmul.f32 v56, v11;
	v57 =	vmax.f32 v55, v22  }
0xd7: {  	v10 =	vsub.f32 v13, v10;
	[tilespmem:s6+$0x8100] =	vst v14;
	v59 =	vsub.f32 v57, v55;
	v60 =	vmax.f32 v57, v24  }
0xd8: {  	v12 =	vmul.f32 v20, v12;
	v61 =	vsub.f32 v9, v13;
	[tilespmem:s6+$0x8000] =	vst v15;
	v62 =	vsub.f32 v60, v57  }
0xd9: {  	v9 =	vsub.f32 v11, v9;
	[tilespmem:s6+$0x8180] =	vst v10;
	v8 =	vmul.f32 v59, v8  }
0xda: {  	v58 =	vsub.f32 v12, v11;
	[tilespmem:s6+$0x8200] =	vst v61;
	v7 =	vmul.f32 v62, v7  }
0xdb: {  	[tilespmem:s6+$0x8280] =	vst v9;
	v63 =	vsub.f32 v8, v12  }
0xdc: {  	[tilespmem:s6+$0x8300] =	vst v58;
	v7 =	vsub.f32 v7, v8  }
0xdd: {  	s17 =	rddreg [dreg:$0x8];
	[tilespmem:s6+$0x8380] =	vst v63  }
0xde: {  	s19 =	simm.s32 $0x10800;
	s24 =	rddreg [dreg:$0x9];
	[tilespmem:s6+$0xE000] =	vst v7  }
0xdf: {  	[tilespmem:s19], [sflag:$0x1] =	stream.strided.gather [hbm4b:s17+s22], $0x3000, s23, s22, $0x38;
	[tilespmem:$0x1C800] =	vst v63  }
0xe0: {  	s25 =	simm.s32 $0x13800;
	s17 =	simm.s32 $0x0;
	s19 =	simm.s32 $0x0  }
0xe1: {  	[tilespmem:s25], [sflag:$0x2] =	stream.strided.gather [hbm4b:s24+s22], $0x3000, s23, s22, $0x38;
	[tilespmem:$0x1C800] =	vst v63  }
.LBB2_8:
0xe2: {  	_ =	swait.ge [sflag:s26], $0x3000  }
0xe3: {  	p1 =	seq.s32 s19, $0x0;
	[sflag:s26] =	ssyncset.done $0x0  }
0xe4: {  	s6 =	simm.s32 @!p1 $0x3;
	[sflag:s26] =	ssyncadd.s32 $0xFFFFD000  }
0xe5: {  	s7 =	simm.s32 $0x0;
	_ =	swait.ge @!p1 [sflag:s6], $0x3000  }
0xe6: {  	s8 =	sand.u32 $0x70, s17;
	s7 =	sand.u32 $0xFFFFFE00, s7;
	[sflag:s6] =	ssyncset.done @!p1 $0x0  }
0xe7: {  	s25 =	sor.u32 s8, s7;
	[sflag:s6] =	ssyncadd.s32 @!p1 $0xFFFFD000  }
0xe8: {  	v12 =	vld [tilespmem:s25+$0x10900];
	_ =	sdelay $0x1  }
0xe9: {  	v13 =	vld [tilespmem:s25+$0x10980]  }
0xea: {  	v15 =	vld [tilespmem:s25+$0x10800]  }
0xeb: {  	v19 =	vld [tilespmem:s25+$0x10880]  }
0xec: {  	v7 =	vsub.f32 v12, v1  }
0xed: {  	s24 =	simm.s32 $0x0;
	v8 =	vsub.f32 v12, v5;
	v9 =	vsub.f32 v12, v0  }
0xee: {  	s6 =	sand.u32 $0x3FFFFC00, s24;
	v10 =	vsub.f32 v13, v6;
	v11 =	vsub.f32 v12, v3  }
0xef: {  	s6 =	sor.u32 s8, s6;
	v16 =	vsub.f32 v13, v4;
	v17 =	vsub.f32 v15, v4  }
0xf0: {  	v29 =	vld [tilespmem:s6+$0x4080];
	v21 =	vsub.f32 v19, v0;
	v23 =	vsub.f32 v13, v1  }
0xf1: {  	v30 =	vsub.f32 v12, v4;
	v32 =	vsub.f32 v12, v6  }
0xf2: {  	v33 =	vsub.f32 v13, v0;
	v35 =	vsub.f32 v15, v3  }
0xf3: {  	v42 =	vsub.f32 v15, v0;
	v43 =	vsub.f32 v15, v6  }
0xf4: {  	v44 =	vsub.f32 v19, v5;
	v46 =	vsub.f32 v15, v1  }
0xf5: {  	v56 =	vsub.f32 v19, v3;
	v49 =	vsub.f32 v15, v2;
	v39 =	vmul.f32 v15, v29  }
0xf6: {  	v27 =	vld [tilespmem:s6+$0x4180];
	v45 =	vmul.f32 v13, v29;
	v47 =	vmul.f32 v12, v29;
	v18 =	vmax.f32 v8, $0.0e+00  }
0xf7: {  	v34 =	vld [tilespmem:s6+$0x4300];
	v20 =	vmax.f32 v9, $0.0e+00;
	v8 =	vsub.f32 v13, v3;
	v14 =	vmax.f32 v7, $0.0e+00  }
0xf8: {  	v38 =	vld [tilespmem:s6+$0x4380];
	v7 =	vsub.f32 v13, v2;
	v9 =	vsub.f32 v12, v2;
	v11 =	vmax.f32 v11, $0.0e+00  }
0xf9: {  	v25 =	vld [tilespmem:s6+$0x4200];
	v21 =	vmax.f32 v21, $0.0e+00;
	v23 =	vmax.f32 v23, $0.0e+00;
	v30 =	vmax.f32 v30, $0.0e+00  }
0xfa: {  	v31 =	vld [tilespmem:s6+$0x4100];
	v33 =	vmax.f32 v33, $0.0e+00;
	v55 =	vmax.f32 v16, $0.0e+00;
	v16 =	vsub.f32 v15, v5  }
0xfb: {  	v17 =	vmax.f32 v17, $0.0e+00;
	v12 =	vmax.f32 v43, $0.0e+00;
	v13 =	vsub.f32 v13, v5  }
0xfc: {  	v42 =	vmax.f32 v42, $0.0e+00;
	v44 =	vmax.f32 v44, $0.0e+00;
	v41 =	vmul.f32 v14, v27  }
0xfd: {  	v58 =	vmax.f32 v49, $0.0e+00;
	v17 =	vmul.f32 v17, v34;
	v15 =	vmul.f32 v44, v38  }
0xfe: {  	v22 =	vld [tilespmem:s6+$0x4280];
	v57 =	vmax.f32 v56, $0.0e+00;
	v59 =	vmul.f32 v58, v25;
	v62 =	vmul.f32 v18, v38  }
0xff: {  	v32 =	vmax.f32 v32, $0.0e+00;
	v20 =	vmul.f32 v20, v31;
	v23 =	vmul.f32 v23, v27  }
0x100: {  	v26 =	vmax.f32 v7, $0.0e+00;
	v7 =	vmax.f32 v10, $0.0e+00;
	v10 =	vsub.f32 v19, v2  }
0x101: {  	v24 =	vmax.f32 v8, $0.0e+00;
	v8 =	vsub.f32 v19, v4;
	v16 =	vmax.f32 v16, $0.0e+00  }
0x102: {  	v14 =	vld [tilespmem:s6+$0x4000];
	v28 =	vmax.f32 v9, $0.0e+00;
	v9 =	vsub.f32 v19, v6;
	v48 =	vmul.f32 v16, v38  }
0x103: {  	v13 =	vmax.f32 v13, $0.0e+00;
	v28 =	vmul.f32 v28, v25;
	v24 =	vmul.f32 v24, v22  }
0x104: {  	v10 =	vmax.f32 v10, $0.0e+00;
	v37 =	vmax.f32 v8, $0.0e+00;
	v8 =	vmul.f32 v11, v22;
	v11 =	vld [tilespmem:s6+$0xA000]  }
0x105: {  	v9 =	vmax.f32 v9, $0.0e+00;
	v36 =	vmul.f32 v10, v25;
	v10 =	vmax.f32 v35, $0.0e+00  }
0x106: {  	v40 =	vmul.f32 v10, v22;
	v10 =	vmul.f32 v21, v31;
	v21 =	vsub.f32 v19, v1  }
0x107: {  	v37 =	vmul.f32 v37, v34;
	v60 =	vadd.f32 v47, v14;
	v39 =	vadd.f32 v39, v14  }
0x108: {  	v16 =	vmax.f32 v21, $0.0e+00;
	v40 =	vadd.f32 v17, v40;
	v17 =	vmul.f32 v57, v22  }
0x109: {  	v21 =	vmax.f32 v46, $0.0e+00;
	v22 =	vmul.f32 v42, v31;
	v43 =	vmul.f32 v12, v11  }
0x10a: {  	v12 =	vmul.f32 v30, v34;
	v30 =	vmul.f32 v16, v27;
	v16 =	vadd.f32 v45, v14  }
0x10b: {  	v21 =	vmul.f32 v21, v27;
	v34 =	vmul.f32 v55, v34;
	v17 =	vadd.f32 v37, v17  }
0x10c: {  	v32 =	vmul.f32 v32, v11;
	v63 =	vadd.f32 v22, v39;
	v61 =	vadd.f32 v43, v48  }
0x10d: {  	v22 =	vmul.f32 v13, v38;
	v18 =	vadd.f32 v34, v24;
	v35 =	vadd.f32 v59, v21  }
0x10e: {  	s24 =	smul.u32 $0xC0000, s19;
	v24 =	vmul.f32 v19, v29;
	v21 =	vadd.f32 v36, v30;
	v13 =	vadd.f32 v32, v62  }
0x10f: {  	v19 =	vadd.f32 v20, v60;
	v20 =	vadd.f32 v28, v41;
	v28 =	vmul.f32 v26, v25  }
0x110: {  	s7 =	simm.s32 $0x10;
	s8 =	simm.s32 $0x1;
	s6 =	sadd.s32 s3, s24;
	v26 =	vmul.f32 v33, v31;
	v25 =	vadd.f32 v35, v63;
	v27 =	vadd.f32 v61, v40  }
.LBB2_9:
0x111: {  	s10 =	smov.u32 s8  }
0x112: {  	s9 =	sshll.u32 s8, $0x7;
	s12 =	sshll.u32 s8, $0x6;
	v14 =	vadd.f32 v24, v14;
	v7 =	vmul.f32 v7, v11;
	v23 =	vadd.f32 v28, v23;
	s10 =	sadd.s32 $0x1, s8  }
0x113: {  	s13 =	sand.u32 $0x70, s7;
	v9 =	vmul.f32 v9, v11;
	s9 =	sand.u32 $0x3FFFFC00, s9;
	s12 =	sand.u32 $0xFFFFFE00, s12;
	v24 =	vadd.f32 v27, v25;
	v11 =	vadd.f32 v26, v16  }
0x114: {  	p0 =	sne.s32 s8, $0xBF;
	s9 =	sor.u32 s13, s9;
	s12 =	sor.u32 s13, s12;
	v10 =	vadd.f32 v10, v14;
	v7 =	vadd.f32 v7, v22  }
0x115: {  	v9 =	vadd.f32 v9, v15;
	v14 =	vmax.f32 v24, $0.0e+00;
	v11 =	vadd.f32 v23, v11;
	v16 =	vld [tilespmem:s12+$0x10900]  }
0x116: {  	v8 =	vadd.f32 v12, v8;
	v7 =	vadd.f32 v7, v18;
	v15 =	vld [tilespmem:s12+$0x10980];
	[tilespmem:s25+$0x16800] =	vst v14  }
0x117: {  	v10 =	vadd.f32 v21, v10;
	v9 =	vadd.f32 v9, v17;
	v18 =	vld [tilespmem:s12+$0x10800]  }
0x118: {  	v8 =	vadd.f32 v13, v8;
	v7 =	vadd.f32 v7, v11  }
0x119: {  	v9 =	vadd.f32 v9, v10;
	v10 =	vadd.f32 v20, v19;
	v13 =	vld [tilespmem:s12+$0x10880]  }
0x11a: {  	v7 =	vmax.f32 v7, $0.0e+00;
	v11 =	vsub.f32 v16, v1;
	v12 =	vsub.f32 v16, v5  }
0x11b: {  	v9 =	vmax.f32 v9, $0.0e+00;
	v14 =	vsub.f32 v16, v0;
	v17 =	vsub.f32 v15, v6;
	[tilespmem:s25+$0x16980] =	vst v7  }
0x11c: {  	v8 =	vadd.f32 v8, v10;
	v7 =	vsub.f32 v16, v3;
	v19 =	vmax.f32 v12, $0.0e+00;
	[tilespmem:s25+$0x16880] =	vst v9  }
0x11d: {  	v20 =	vmax.f32 v14, $0.0e+00;
	v12 =	vmax.f32 v11, $0.0e+00;
	v9 =	vsub.f32 v15, v3  }
0x11e: {  	v10 =	vsub.f32 v15, v2;
	v8 =	vmax.f32 v8, $0.0e+00;
	v11 =	vsub.f32 v15, v4  }
0x11f: {  	v21 =	vsub.f32 v18, v4;
	v14 =	vsub.f32 v16, v2;
	v22 =	vmax.f32 v7, $0.0e+00;
	[tilespmem:s25+$0x16900] =	vst v8;
	s25 =	smov.u32 s12  }
0x120: {  	v26 =	vmax.f32 v10, $0.0e+00;
	v7 =	vmax.f32 v17, $0.0e+00;
	v8 =	vsub.f32 v13, v0;
	v25 =	vld [tilespmem:s9+$0x4200]  }
0x121: {  	v23 =	vsub.f32 v15, v1;
	v10 =	vsub.f32 v13, v2;
	v24 =	vmax.f32 v9, $0.0e+00;
	v17 =	vld [tilespmem:s9+$0x4280]  }
0x122: {  	v29 =	vmax.f32 v14, $0.0e+00;
	v28 =	vmax.f32 v8, $0.0e+00;
	v8 =	vsub.f32 v13, v4;
	v27 =	vld [tilespmem:s9+$0x4180]  }
0x123: {  	v23 =	vmax.f32 v23, $0.0e+00;
	v9 =	vsub.f32 v13, v6;
	v14 =	vsub.f32 v16, v4;
	v30 =	vld [tilespmem:s9+$0x4080]  }
0x124: {  	v32 =	vsub.f32 v16, v6;
	v33 =	vsub.f32 v15, v0;
	v10 =	vmax.f32 v10, $0.0e+00;
	v31 =	vld [tilespmem:s9+$0x4100]  }
0x125: {  	v35 =	vsub.f32 v18, v3;
	v9 =	vmax.f32 v9, $0.0e+00;
	v36 =	vmax.f32 v14, $0.0e+00;
	v34 =	vld [tilespmem:s9+$0x4300]  }
0x126: {  	v33 =	vmax.f32 v33, $0.0e+00;
	v38 =	vmax.f32 v8, $0.0e+00;
	v37 =	vmul.f32 v10, v25  }
0x127: {  	v10 =	vmax.f32 v35, $0.0e+00;
	v8 =	vmul.f32 v22, v17;
	v22 =	vmax.f32 v11, $0.0e+00  }
0x128: {  	v41 =	vsub.f32 v18, v5;
	v40 =	vmul.f32 v10, v17;
	v35 =	vld [tilespmem:s9+$0x4380];
	v39 =	vmul.f32 v18, v30  }
0x129: {  	v42 =	vmul.f32 v12, v27;
	v11 =	vld [tilespmem:s9+$0xA000];
	v10 =	vmul.f32 v28, v31;
	v28 =	vsub.f32 v13, v1  }
0x12a: {  	v43 =	vsub.f32 v18, v0;
	v12 =	vsub.f32 v18, v6;
	v14 =	vld [tilespmem:s9+$0x4000];
	v38 =	vmul.f32 v38, v34  }
0x12b: {  	v41 =	vmax.f32 v41, $0.0e+00;
	v44 =	vsub.f32 v13, v5;
	v45 =	vmul.f32 v15, v30  }
0x12c: {  	v46 =	vsub.f32 v18, v1;
	v21 =	vmax.f32 v21, $0.0e+00;
	v47 =	vmul.f32 v16, v30  }
0x12d: {  	v48 =	vsub.f32 v15, v5;
	v12 =	vmax.f32 v12, $0.0e+00;
	v41 =	vmul.f32 v41, v35  }
0x12e: {  	v15 =	vmax.f32 v28, $0.0e+00;
	v49 =	vmul.f32 v12, v11;
	v12 =	vmul.f32 v36, v34  }
0x12f: {  	v29 =	vmul.f32 v29, v25;
	v28 =	vmax.f32 v46, $0.0e+00;
	v36 =	vmul.f32 v15, v27  }
0x130: {  	v43 =	vmax.f32 v43, $0.0e+00;
	v44 =	vmax.f32 v44, $0.0e+00;
	v15 =	vsub.f32 v13, v3  }
0x131: {  	v18 =	vsub.f32 v18, v2;
	v21 =	vmul.f32 v21, v34;
	v16 =	vadd.f32 v45, v14  }
0x132: {  	v28 =	vmul.f32 v28, v27;
	v45 =	vmax.f32 v15, $0.0e+00;
	v15 =	vmul.f32 v44, v35  }
0x133: {  	v24 =	vmul.f32 v24, v17;
	v18 =	vmax.f32 v18, $0.0e+00;
	v22 =	vmul.f32 v22, v34  }
0x134: {  	v40 =	vadd.f32 v21, v40;
	v34 =	vmul.f32 v18, v25;
	v17 =	vmul.f32 v45, v17  }
0x135: {  	v21 =	vmul.f32 v43, v31;
	v18 =	vmax.f32 v32, $0.0e+00;
	v43 =	vadd.f32 v47, v14  }
0x136: {  	v32 =	vadd.f32 v39, v14;
	v17 =	vadd.f32 v38, v17;
	v38 =	vmul.f32 v18, v11  }
0x137: {  	v19 =	vmul.f32 v19, v35;
	v39 =	vadd.f32 v49, v41;
	v18 =	vadd.f32 v22, v24  }
.Ltmp3:
0x138: {  	v20 =	vmul.f32 v20, v31;
	v32 =	vadd.f32 v21, v32;
	v21 =	vmax.f32 v48, $0.0e+00;
	(pc) =	sbr.rel @p0 .LBB2_9-.Ltmp3, $4  }
0x139: {  	v23 =	vmul.f32 v23, v27;
	v34 =	vadd.f32 v34, v28;
	v22 =	vmul.f32 v21, v35  }
0x13a: {  	v24 =	vmul.f32 v13, v30;
	v21 =	vadd.f32 v37, v36;
	v13 =	vadd.f32 v38, v19  }
0x13b: {  	v28 =	vmul.f32 v26, v25;
	v19 =	vadd.f32 v20, v43;
	v20 =	vadd.f32 v29, v42  }
0x13c: {  	s7 =	sadd.s32 $0x10, s7;
	s8 =	smov.u32 s10;
	v26 =	vmul.f32 v33, v31;
	v27 =	vadd.f32 v39, v40;
	v25 =	vadd.f32 v34, v32  }
0x13d: {  	v14 =	vadd.f32 v24, v14  }
0x13e: {  	v7 =	vmul.f32 v7, v11;
	v23 =	vadd.f32 v28, v23;
	v8 =	vadd.f32 v12, v8  }
0x13f: {  	v9 =	vmul.f32 v9, v11;
	v24 =	vadd.f32 v27, v25;
	v11 =	vadd.f32 v26, v16  }
0x140: {  	v10 =	vadd.f32 v10, v14;
	v7 =	vadd.f32 v7, v22  }
0x141: {  	v9 =	vadd.f32 v9, v15;
	v8 =	vadd.f32 v13, v8  }
0x142: {  	v11 =	vadd.f32 v23, v11;
	v7 =	vadd.f32 v7, v18  }
0x143: {  	v10 =	vadd.f32 v21, v10;
	v9 =	vadd.f32 v9, v17  }
0x144: {  	v7 =	vadd.f32 v7, v11;
	v11 =	vadd.f32 v20, v19  }
0x145: {  	v12 =	vmax.f32 v24, $0.0e+00;
	v9 =	vadd.f32 v9, v10  }
0x146: {  	p0 =	seq.s32 s19, $0xF;
	[tilespmem:s25+$0x16800] =	vst v12;
	v7 =	vmax.f32 v7, $0.0e+00;
	v8 =	vadd.f32 v8, v11  }
0x147: {  	s7 =	sadd.s32 @!p0 s24, s14;
	v9 =	vmax.f32 v9, $0.0e+00;
	[tilespmem:s25+$0x16980] =	vst v7  }
0x148: {  	s8 =	simm.s32 @!p0 $0x200;
	s9 =	simm.s32 @!p0 $0x400;
	s24 =	sshrl.u32 @!p0 s7, $0x3;
	[tilespmem:s25+$0x16880] =	vst v9;
	v7 =	vmax.f32 v8, $0.0e+00  }
0x149: {  	s10 =	simm.s32 @!p0 $0x10800;
	s7 =	sadd.s32 @!p0 s5, s24;
	[tilespmem:s25+$0x16900] =	vst v7;
	s25 =	sshrl.u32 s6, $0x3  }
0x14a: {  	[tilespmem:s10], [sflag:$0x1] =	stream.strided.gather @!p0 [hbm4b:s7+s8], $0x3000, s9, s8, $0x38;
	[tilespmem:$0x1C800] =	vst v63  }
0x14b: {  	s6 =	sadd.s32 s2, s25  }
0x14c: {  	[hbm4b:s6+s22] =	stream.strided.scatter [tilespmem:s28], [sflag:$0x3], $0x3000, s23, s22, $0x38;
	[tilespmem:$0x1C800] =	vst v63  }
0x14d: {  	_ =	swait.ge [sflag:s29], $0x3000  }
0x14e: {  	[sflag:s29] =	ssyncset.done $0x0  }
0x14f: {  	s6 =	simm.s32 @!p1 $0x4;
	[sflag:s29] =	ssyncadd.s32 $0xFFFFD000  }
0x150: {  	s12 =	simm.s32 $0x0;
	s10 =	simm.s32 $0x0;
	_ =	swait.ge @!p1 [sflag:s6], $0x3000  }
0x151: {  	s8 =	sand.u32 $0xFFFFFE00, s12;
	s7 =	sand.u32 $0x70, s10;
	[sflag:s6] =	ssyncset.done @!p1 $0x0  }
0x152: {  	[sflag:s6] =	ssyncadd.s32 @!p1 $0xFFFFD000;
	s6 =	sor.u32 s7, s8  }
0x153: {  	v12 =	vld [tilespmem:s6+$0x13900];
	_ =	sdelay $0x1  }
0x154: {  	v13 =	vld [tilespmem:s6+$0x13980]  }
0x155: {  	v15 =	vld [tilespmem:s6+$0x13800]  }
0x156: {  	v19 =	vld [tilespmem:s6+$0x13880]  }
0x157: {  	v7 =	vsub.f32 v12, v1  }
0x158: {  	s13 =	simm.s32 $0x0;
	v8 =	vsub.f32 v12, v5;
	v9 =	vsub.f32 v12, v0  }
0x159: {  	s8 =	sand.u32 $0x3FFFFC00, s13;
	v10 =	vsub.f32 v13, v6;
	v11 =	vsub.f32 v12, v3  }
0x15a: {  	s7 =	sor.u32 s7, s8;
	v16 =	vsub.f32 v13, v4;
	v17 =	vsub.f32 v15, v4  }
0x15b: {  	v29 =	vld [tilespmem:s7+$0x4080];
	v21 =	vsub.f32 v19, v0;
	v23 =	vsub.f32 v13, v1  }
0x15c: {  	v30 =	vsub.f32 v12, v4;
	v32 =	vsub.f32 v12, v6  }
0x15d: {  	v33 =	vsub.f32 v13, v0;
	v35 =	vsub.f32 v15, v3  }
0x15e: {  	v42 =	vsub.f32 v15, v0;
	v43 =	vsub.f32 v15, v6  }
0x15f: {  	v44 =	vsub.f32 v19, v5;
	v46 =	vsub.f32 v15, v1  }
0x160: {  	v56 =	vsub.f32 v19, v3;
	v49 =	vsub.f32 v15, v2;
	v39 =	vmul.f32 v15, v29  }
0x161: {  	v27 =	vld [tilespmem:s7+$0x4180];
	v45 =	vmul.f32 v13, v29;
	v47 =	vmul.f32 v12, v29;
	v18 =	vmax.f32 v8, $0.0e+00  }
0x162: {  	v34 =	vld [tilespmem:s7+$0x4300];
	v20 =	vmax.f32 v9, $0.0e+00;
	v8 =	vsub.f32 v13, v3;
	v14 =	vmax.f32 v7, $0.0e+00  }
0x163: {  	v38 =	vld [tilespmem:s7+$0x4380];
	v7 =	vsub.f32 v13, v2;
	v9 =	vsub.f32 v12, v2;
	v11 =	vmax.f32 v11, $0.0e+00  }
0x164: {  	v25 =	vld [tilespmem:s7+$0x4200];
	v21 =	vmax.f32 v21, $0.0e+00;
	v23 =	vmax.f32 v23, $0.0e+00;
	v30 =	vmax.f32 v30, $0.0e+00  }
0x165: {  	v31 =	vld [tilespmem:s7+$0x4100];
	v33 =	vmax.f32 v33, $0.0e+00;
	v55 =	vmax.f32 v16, $0.0e+00;
	v16 =	vsub.f32 v15, v5  }
0x166: {  	v17 =	vmax.f32 v17, $0.0e+00;
	v12 =	vmax.f32 v43, $0.0e+00;
	v13 =	vsub.f32 v13, v5  }
0x167: {  	v42 =	vmax.f32 v42, $0.0e+00;
	v44 =	vmax.f32 v44, $0.0e+00;
	v41 =	vmul.f32 v14, v27  }
0x168: {  	v58 =	vmax.f32 v49, $0.0e+00;
	v17 =	vmul.f32 v17, v34;
	v15 =	vmul.f32 v44, v38  }
0x169: {  	v22 =	vld [tilespmem:s7+$0x4280];
	v57 =	vmax.f32 v56, $0.0e+00;
	v59 =	vmul.f32 v58, v25;
	v62 =	vmul.f32 v18, v38  }
0x16a: {  	v32 =	vmax.f32 v32, $0.0e+00;
	v20 =	vmul.f32 v20, v31;
	v23 =	vmul.f32 v23, v27  }
0x16b: {  	v26 =	vmax.f32 v7, $0.0e+00;
	v7 =	vmax.f32 v10, $0.0e+00;
	v10 =	vsub.f32 v19, v2  }
0x16c: {  	v24 =	vmax.f32 v8, $0.0e+00;
	v8 =	vsub.f32 v19, v4;
	v16 =	vmax.f32 v16, $0.0e+00  }
0x16d: {  	v14 =	vld [tilespmem:s7+$0x4000];
	v28 =	vmax.f32 v9, $0.0e+00;
	v9 =	vsub.f32 v19, v6;
	v48 =	vmul.f32 v16, v38  }
0x16e: {  	v13 =	vmax.f32 v13, $0.0e+00;
	v28 =	vmul.f32 v28, v25;
	v24 =	vmul.f32 v24, v22  }
0x16f: {  	v10 =	vmax.f32 v10, $0.0e+00;
	v37 =	vmax.f32 v8, $0.0e+00;
	v8 =	vmul.f32 v11, v22;
	v11 =	vld [tilespmem:s7+$0xA000]  }
0x170: {  	v9 =	vmax.f32 v9, $0.0e+00;
	v36 =	vmul.f32 v10, v25;
	v10 =	vmax.f32 v35, $0.0e+00  }
0x171: {  	v40 =	vmul.f32 v10, v22;
	v10 =	vmul.f32 v21, v31;
	v21 =	vsub.f32 v19, v1  }
0x172: {  	v37 =	vmul.f32 v37, v34;
	v60 =	vadd.f32 v47, v14;
	v39 =	vadd.f32 v39, v14  }
0x173: {  	v16 =	vmax.f32 v21, $0.0e+00;
	v40 =	vadd.f32 v17, v40;
	v17 =	vmul.f32 v57, v22  }
0x174: {  	v21 =	vmax.f32 v46, $0.0e+00;
	v22 =	vmul.f32 v42, v31;
	v43 =	vmul.f32 v12, v11  }
0x175: {  	v12 =	vmul.f32 v30, v34;
	v30 =	vmul.f32 v16, v27;
	v16 =	vadd.f32 v45, v14  }
0x176: {  	v21 =	vmul.f32 v21, v27;
	v34 =	vmul.f32 v55, v34;
	v17 =	vadd.f32 v37, v17  }
0x177: {  	v32 =	vmul.f32 v32, v11;
	v63 =	vadd.f32 v22, v39;
	v61 =	vadd.f32 v43, v48  }
0x178: {  	v22 =	vmul.f32 v13, v38;
	v18 =	vadd.f32 v34, v24;
	v35 =	vadd.f32 v59, v21  }
0x179: {  	v24 =	vmul.f32 v19, v29;
	v21 =	vadd.f32 v36, v30;
	v13 =	vadd.f32 v32, v62  }
0x17a: {  	v19 =	vadd.f32 v20, v60;
	v20 =	vadd.f32 v28, v41;
	v28 =	vmul.f32 v26, v25  }
0x17b: {  	s10 =	simm.s32 $0x1;
	s7 =	simm.s32 $0x10;
	v26 =	vmul.f32 v33, v31;
	v25 =	vadd.f32 v35, v63;
	v27 =	vadd.f32 v61, v40  }
.LBB2_11:
0x17c: {  	s8 =	smov.u32 s10  }
0x17d: {  	s9 =	sshll.u32 s10, $0x7;
	s12 =	sshll.u32 s10, $0x6;
	v14 =	vadd.f32 v24, v14;
	v7 =	vmul.f32 v7, v11;
	v23 =	vadd.f32 v28, v23;
	s8 =	sadd.s32 $0x1, s10  }
0x17e: {  	s13 =	sand.u32 $0x70, s7;
	v9 =	vmul.f32 v9, v11;
	s9 =	sand.u32 $0x3FFFFC00, s9;
	s12 =	sand.u32 $0xFFFFFE00, s12;
	v24 =	vadd.f32 v27, v25;
	v11 =	vadd.f32 v26, v16  }
0x17f: {  	p1 =	sne.s32 s10, $0xBF;
	s9 =	sor.u32 s13, s9;
	s12 =	sor.u32 s13, s12;
	v10 =	vadd.f32 v10, v14;
	v7 =	vadd.f32 v7, v22  }
0x180: {  	v9 =	vadd.f32 v9, v15;
	v14 =	vmax.f32 v24, $0.0e+00;
	v11 =	vadd.f32 v23, v11;
	v16 =	vld [tilespmem:s12+$0x13900]  }
0x181: {  	v8 =	vadd.f32 v12, v8;
	v7 =	vadd.f32 v7, v18;
	v15 =	vld [tilespmem:s12+$0x13980];
	[tilespmem:s6+$0x19800] =	vst v14  }
0x182: {  	v10 =	vadd.f32 v21, v10;
	v9 =	vadd.f32 v9, v17;
	v18 =	vld [tilespmem:s12+$0x13800]  }
0x183: {  	v8 =	vadd.f32 v13, v8;
	v7 =	vadd.f32 v7, v11  }
0x184: {  	v9 =	vadd.f32 v9, v10;
	v10 =	vadd.f32 v20, v19;
	v13 =	vld [tilespmem:s12+$0x13880]  }
0x185: {  	v7 =	vmax.f32 v7, $0.0e+00;
	v11 =	vsub.f32 v16, v1;
	v12 =	vsub.f32 v16, v5  }
0x186: {  	v9 =	vmax.f32 v9, $0.0e+00;
	v14 =	vsub.f32 v16, v0;
	v17 =	vsub.f32 v15, v6;
	[tilespmem:s6+$0x19980] =	vst v7  }
0x187: {  	v8 =	vadd.f32 v8, v10;
	v7 =	vsub.f32 v16, v3;
	v19 =	vmax.f32 v12, $0.0e+00;
	[tilespmem:s6+$0x19880] =	vst v9  }
0x188: {  	v20 =	vmax.f32 v14, $0.0e+00;
	v12 =	vmax.f32 v11, $0.0e+00;
	v9 =	vsub.f32 v15, v3  }
0x189: {  	v10 =	vsub.f32 v15, v2;
	v8 =	vmax.f32 v8, $0.0e+00;
	v11 =	vsub.f32 v15, v4  }
0x18a: {  	v21 =	vsub.f32 v18, v4;
	v14 =	vsub.f32 v16, v2;
	v22 =	vmax.f32 v7, $0.0e+00;
	[tilespmem:s6+$0x19900] =	vst v8;
	s6 =	smov.u32 s12  }
0x18b: {  	v26 =	vmax.f32 v10, $0.0e+00;
	v7 =	vmax.f32 v17, $0.0e+00;
	v8 =	vsub.f32 v13, v0;
	v25 =	vld [tilespmem:s9+$0x4200]  }
0x18c: {  	v23 =	vsub.f32 v15, v1;
	v10 =	vsub.f32 v13, v2;
	v24 =	vmax.f32 v9, $0.0e+00;
	v17 =	vld [tilespmem:s9+$0x4280]  }
0x18d: {  	v29 =	vmax.f32 v14, $0.0e+00;
	v28 =	vmax.f32 v8, $0.0e+00;
	v8 =	vsub.f32 v13, v4;
	v27 =	vld [tilespmem:s9+$0x4180]  }
0x18e: {  	v23 =	vmax.f32 v23, $0.0e+00;
	v9 =	vsub.f32 v13, v6;
	v14 =	vsub.f32 v16, v4;
	v30 =	vld [tilespmem:s9+$0x4080]  }
0x18f: {  	v32 =	vsub.f32 v16, v6;
	v33 =	vsub.f32 v15, v0;
	v10 =	vmax.f32 v10, $0.0e+00;
	v31 =	vld [tilespmem:s9+$0x4100]  }
0x190: {  	v35 =	vsub.f32 v18, v3;
	v9 =	vmax.f32 v9, $0.0e+00;
	v36 =	vmax.f32 v14, $0.0e+00;
	v34 =	vld [tilespmem:s9+$0x4300]  }
0x191: {  	v33 =	vmax.f32 v33, $0.0e+00;
	v38 =	vmax.f32 v8, $0.0e+00;
	v37 =	vmul.f32 v10, v25  }
0x192: {  	v10 =	vmax.f32 v35, $0.0e+00;
	v8 =	vmul.f32 v22, v17;
	v22 =	vmax.f32 v11, $0.0e+00  }
0x193: {  	v41 =	vsub.f32 v18, v5;
	v40 =	vmul.f32 v10, v17;
	v35 =	vld [tilespmem:s9+$0x4380];
	v39 =	vmul.f32 v18, v30  }
0x194: {  	v42 =	vmul.f32 v12, v27;
	v11 =	vld [tilespmem:s9+$0xA000];
	v10 =	vmul.f32 v28, v31;
	v28 =	vsub.f32 v13, v1  }
0x195: {  	v43 =	vsub.f32 v18, v0;
	v12 =	vsub.f32 v18, v6;
	v14 =	vld [tilespmem:s9+$0x4000];
	v38 =	vmul.f32 v38, v34  }
0x196: {  	v41 =	vmax.f32 v41, $0.0e+00;
	v44 =	vsub.f32 v13, v5;
	v45 =	vmul.f32 v15, v30  }
0x197: {  	v46 =	vsub.f32 v18, v1;
	v21 =	vmax.f32 v21, $0.0e+00;
	v47 =	vmul.f32 v16, v30  }
0x198: {  	v48 =	vsub.f32 v15, v5;
	v12 =	vmax.f32 v12, $0.0e+00;
	v41 =	vmul.f32 v41, v35  }
0x199: {  	v15 =	vmax.f32 v28, $0.0e+00;
	v49 =	vmul.f32 v12, v11;
	v12 =	vmul.f32 v36, v34  }
0x19a: {  	v29 =	vmul.f32 v29, v25;
	v28 =	vmax.f32 v46, $0.0e+00;
	v36 =	vmul.f32 v15, v27  }
0x19b: {  	v43 =	vmax.f32 v43, $0.0e+00;
	v44 =	vmax.f32 v44, $0.0e+00;
	v15 =	vsub.f32 v13, v3  }
0x19c: {  	v18 =	vsub.f32 v18, v2;
	v21 =	vmul.f32 v21, v34;
	v16 =	vadd.f32 v45, v14  }
0x19d: {  	v28 =	vmul.f32 v28, v27;
	v45 =	vmax.f32 v15, $0.0e+00;
	v15 =	vmul.f32 v44, v35  }
0x19e: {  	v24 =	vmul.f32 v24, v17;
	v18 =	vmax.f32 v18, $0.0e+00;
	v22 =	vmul.f32 v22, v34  }
0x19f: {  	v40 =	vadd.f32 v21, v40;
	v34 =	vmul.f32 v18, v25;
	v17 =	vmul.f32 v45, v17  }
0x1a0: {  	v21 =	vmul.f32 v43, v31;
	v18 =	vmax.f32 v32, $0.0e+00;
	v43 =	vadd.f32 v47, v14  }
0x1a1: {  	v32 =	vadd.f32 v39, v14;
	v17 =	vadd.f32 v38, v17;
	v38 =	vmul.f32 v18, v11  }
0x1a2: {  	v19 =	vmul.f32 v19, v35;
	v39 =	vadd.f32 v49, v41;
	v18 =	vadd.f32 v22, v24  }
.Ltmp4:
0x1a3: {  	v20 =	vmul.f32 v20, v31;
	v32 =	vadd.f32 v21, v32;
	v21 =	vmax.f32 v48, $0.0e+00;
	(pc) =	sbr.rel @p1 .LBB2_11-.Ltmp4, $4  }
0x1a4: {  	v23 =	vmul.f32 v23, v27;
	v34 =	vadd.f32 v34, v28;
	v22 =	vmul.f32 v21, v35  }
0x1a5: {  	v24 =	vmul.f32 v13, v30;
	v21 =	vadd.f32 v37, v36;
	v13 =	vadd.f32 v38, v19  }
0x1a6: {  	v28 =	vmul.f32 v26, v25;
	v19 =	vadd.f32 v20, v43;
	v20 =	vadd.f32 v29, v42  }
0x1a7: {  	s7 =	sadd.s32 $0x10, s7;
	s10 =	smov.u32 s8;
	v26 =	vmul.f32 v33, v31;
	v27 =	vadd.f32 v39, v40;
	v25 =	vadd.f32 v34, v32  }
0x1a8: {  	v14 =	vadd.f32 v24, v14  }
0x1a9: {  	v7 =	vmul.f32 v7, v11;
	v23 =	vadd.f32 v28, v23;
	v8 =	vadd.f32 v12, v8  }
0x1aa: {  	v9 =	vmul.f32 v9, v11;
	v62 =	vadd.f32 v20, v19;
	v60 =	vadd.f32 v27, v25  }
0x1ab: {  	v61 =	vadd.f32 v26, v16;
	v7 =	vadd.f32 v7, v22  }
0x1ac: {  	v10 =	vadd.f32 v10, v14;
	v9 =	vadd.f32 v9, v15  }
0x1ad: {  	v11 =	vadd.f32 v23, v61;
	v7 =	vadd.f32 v7, v18  }
0x1ae: {  	v10 =	vadd.f32 v21, v10;
	v9 =	vadd.f32 v9, v17  }
0x1af: {  	v8 =	vadd.f32 v13, v8;
	v7 =	vadd.f32 v7, v11  }
0x1b0: {  	v63 =	vmax.f32 v60, $0.0e+00;
	v9 =	vadd.f32 v9, v10  }
0x1b1: {  	[tilespmem:s6+$0x19800] =	vst v63;
	v8 =	vadd.f32 v8, v62;
	v7 =	vmax.f32 v7, $0.0e+00  }
0x1b2: {  	v9 =	vmax.f32 v9, $0.0e+00;
	[tilespmem:s6+$0x19980] =	vst v7  }
0x1b3: {  	s7 =	sadd.s32 @!p0 s24, s11;
	s8 =	simm.s32 @!p0 $0x400;
	[tilespmem:s6+$0x19880] =	vst v9;
	v7 =	vmax.f32 v8, $0.0e+00  }
0x1b4: {  	s9 =	simm.s32 @!p0 $0x13800;
	s19 =	sadd.s32 $0x1, s19;
	[tilespmem:s6+$0x19900] =	vst v7;
	s6 =	simm.s32 @!p0 $0x200  }
0x1b5: {  	[tilespmem:s9], [sflag:$0x2] =	stream.strided.gather @!p0 [hbm4b:s7+s6], $0x3000, s8, s6, $0x38;
	[tilespmem:$0x1C800] =	vst v63  }
0x1b6: {  	p0 =	sne.s32 s19, $0x10  }
.Ltmp5:
0x1b7: {  	_ = 	snop;
	(pc) =	sbr.rel @p0 .LBB2_8-.Ltmp5, $3  }
0x1b8: {  	_ =	sdelay $0x1  }
0x1b9: {  	s25 =	sadd.s32 s25, s15  }
0x1ba: {  	[hbm4b:s25+s22] =	stream.strided.scatter [tilespmem:s30], [sflag:$0x4], $0x3000, s23, s22, $0x38;
	[tilespmem:$0x1C800] =	vst v63  }
0x1bb: {  	s0 =	sadd.s32 $0x1, s0  }
0x1bc: {  	_ =	swait.ge [sflag:s31], $0x3000;
	p0 =	sne.s32 s0, s16  }
.Ltmp6:
0x1bd: {  	[sflag:s31] =	ssyncset.done $0x0;
	(pc) =	sbr.rel @p0 .LBB2_1-.Ltmp6, $4  }
0x1be: {  	[sflag:s31] =	ssyncadd.s32 $0xFFFFD000  }
0x1bf: {  	_ =	swait.ge [sflag:s1], $0x3000  }
0x1c0: {  	[sflag:s1] =	ssyncset.done $0x0  }
0x1c1: {  	[sflag:s1] =	ssyncadd.s32 $0xFFFFD000  }
0x1c2: {  	_ =	sfence.sel $0x180000  }
0x1c3: {  	[bflag:$0x0] =	sbarrier.arrive $0xFFFF  }
0x1c4: {  	_ =	strace $0x90000047  }
0x1c5: {  	s0 =	stileid.u32;
	[bflag:$0x2] =	sbarrier.arrive $0xFFFF  }
0x1c6: {  	p0 =	sne.s32 s0, $0x0;
	s0 =	rddreg [dreg:$0x2]  }
0x1c7: {  	s0 =	sadd.s32 @!p0 $0x100000, s0  }
0x1c8: {  	[sflag:s0] =	ssyncadd.tile.s32 @!p0 $0x1;
	_ =	shalt  }
.Lfunc_end2:
_tile_overlayer_lowered:
.L_overlay_start_2:
0x1c9: {  	(tag) =	ssettag $0x2  }
0x1ca: {  	s0 =	rddreg [dreg:$0x0];
	s2 =	stileid.u32  }
0x1cb: {  	s1 =	rddreg [dreg:$0x1];
	p0 =	sne.s32 s2, $0x0  }
0x1cc: {  	s3 =	rddreg [dreg:$0x2];
	[bflag:$0x3] =	sbarrier.arrive $0xFFFF;
	s2 =	simm.s32 @!p0 $0x1C05  }
0x1cd: {  	[timem:s3], [sflag:s2] =	dma.local @!p0 [hbm:s0], s1  }
0x1ce: {  	s0 =	simm.s32 @!p0 $0x5  }
0x1cf: {  	_ =	swait.ge @!p0 [sflag:s0], s1  }
0x1d0: {  	s1 =	ssub.s32 @!p0 $0x0, s1;
	[sflag:s0] =	ssyncset.done @!p0 $0x0  }
0x1d1: {  	[sflag:s0] =	ssyncadd.s32 @!p0 s1  }
0x1d2: {  	[bflag:$0x3] =	sbarrier.arrive $0xFFFF  }
0x1d3: {  	_ =	shalt  }

// kernel: sparse-core-data-format-call.cloned.1.call-start
scs
called_computation_lowered:
.L_overlay_start_0:
0x0: {  	s2 =	sld [smem:$0x3FD9]  }
0x1: {  	s3 =	sld [smem:$0x3FFE];
	_ =	sdelay $0x1  }
0x2: {  	s1 =	srdreg.scid  }
0x3: {  	s0 =	sand.u32 $0x1, s1  }
0x4: {  	s18 =	sshll.u32 s0, $0xA;
	s2 =	sadd.s32 s3, s2  }
0x5: {  	s2 =	sadd.s32 s2, s18  }
0x6: {  	[smem:$0x3FC5] =	sst s2  }
0x7: {  	_ = 	snop  }
0x8: {  	s2 =	sld [smem:$0x3FD0];
	(tm) =	ssettm $0x1  }
0x9: {  	s19 =	sld [smem:$0x3FFB];
	_ =	sdelay $0x3  }
0xa: {  	_ =	strace s19  }
0xb: {  	s3 =	sld [smem:$0x3FFC];
	_ =	sdelay $0x3  }
0xc: {  	_ =	strace s3  }
0xd: {  	s3 =	sld [smem:$0x3FFD];
	_ =	sdelay $0x3  }
0xe: {  	_ =	strace s3  }
0xf: {  	_ =	strace $0x8FFFFFFF  }
0x10: {  	s20 =	sld [smem:$0x3FDB];
	_ =	sdelay $0x1  }
0x11: {  	s4 =	simm.s32 $_scs_section_size  }
0x12: {  	s5 =	simm.s32 $_size__tile_overlayer_lowered;
	s6 =	simm.s32 $_tile_overlayer_lowered  }
0x13: {  	s23 =	simm.s32 $0x1BFF;
	s22 =	sshll.u32 s6, $0x1;
	s3 =	sadd.s32 s4, s20  }
0x14: {  	s7 =	simm.s32 $0x0;
	s21 =	sshll.u32 s5, $0x1;
	s5 =	sadd.s32 s22, s3  }
0x15: {  	[timem:s7], [sflag:s23] =	dma.local [hbm:s5], s21  }
0x16: {  	_ =	swait.ge [sflag:s23], s21  }
0x17: {  	s4 =	ssub.s32 $0x0, s21;
	[sflag:s23] =	ssyncset.done $0x0  }
0x18: {  	[sflag:s23] =	ssyncadd.s32 s4;
	_ =	sdelay $0x1  }
0x19: {  	s24 =	simm.s32 $0x1B8B  }
0x1a: {  	_ =	swait.ge [sflag:s24], $0x1  }
0x1b: {  	[sflag:s24] =	ssyncset.done $0x0  }
0x1c: {  	s26 =	simm.s32 $0x1B8E;
	s25 =	sld [smem:$0x3FFE];
	[sflag:s24] =	ssyncadd.s32 $0xFFFFFFFF  }
0x1d: {  	s27 =	simm.s32 $execute0_lowered;
	[smem:$0x3FD2] =	sst s26  }
0x1e: {  	s5 =	sshll.u32 s27, $0x1;
	_ =	strace $0x80000049;
	[dreg:$0x1] =	wrdreg $0xFFFFFFFF  }
0x1f: {  	s28 =	simm.s32 $_size_execute0_lowered;
	s3 =	sadd.s32 s3, s5;
	[dreg:$0x0] =	wrdreg $0x0  }
0x20: {  	s5 =	sshll.u32 s28, $0x1;
	[dreg:$0x2] =	wrdreg s3  }
0x21: {  	[dreg:$0x3] =	wrdreg s5  }
0x22: {  	[dreg:$0x4] =	wrdreg $0xC0  }
0x23: {  	_ =	task [dreg:s7], $0x5FFFF  }
0x24: {  	[dreg:$0x1] =	wrdreg $0xFFFFFFFF  }
0x25: {  	[dreg:$0x0] =	wrdreg $0x60  }
0x26: {  	[dreg:$0x2] =	wrdreg s25  }
0x27: {  	[dreg:$0x3] =	wrdreg s2  }
0x28: {  	[dreg:$0x4] =	wrdreg $0x9  }
0x29: {  	_ =	task.clear_ibuf [dreg:s7], $0x5FFFF;
	_ =	strace $0x90000049  }
0x2a: {  	s29 =	simm.s32 $0x9;
	_ =	strace $0x8000004B  }
0x2b: {  	_ =	swait.ge [sflag:s29], $0x1  }
0x2c: {  	[sflag:s29] =	ssyncadd.s32 $0xFFFFFFFF  }
0x2d: {  	_ =	strace $0x9000004B  }
0x2e: {  	_ =	sfence  }
0x2f: {  	s30 =	sld [smem:$0x0];
	_ =	sdelay $0x2  }
0x30: {  	s31 =	sshll.u32 s1, $0xD;
	s1 =	sshrl.u32 s1, $0x2  }
0x31: {  	s3 =	sand.u32 $0x4000, s31;
	s1 =	sadd.s32 s1, s30  }
0x32: {  	s0 =	sor.u32 s3, s0;
	s1 =	sshll.u32 s1, $0x11  }
0x33: {  	s0 =	sor.u32 s1, s0  }
0x34: {  	s0 =	sadd.s32 $0x8F2B, s0  }
0x35: {  	[sflag:s0] =	ssyncadd.remote.s32 $0x1  }
0x36: {  	_ =	sfence.sel $0xFFFF  }
0x37: {  	[dreg:$0x0] =	wrdreg $0xFFFFFFFF;
	(pc) =	sbr.abs _section_cstart, $3  }
0x38: {  	[dreg:$0x1] =	wrdreg $0xFFFFFFFF  }
0x39: {  	_ =	task.clear_ibuf [dreg:s7], $0x2FFFF;
	_ =	strace $0x9FFFFFFF  }
0x3a: {  	(tm) =	ssettm $0x7FFFFFFF  }
0x3b: {  	_ =	shalt  }
tec
execute0_lowered:
.L_overlay_start_1:
0x0: {  	(tag) =	ssettag $0x1  }
0x1: {  	s0 =	srdreg.scid  }
0x2: {  	s1 =	sshll.u32 s0, $0x4  }
0x3: {  	s0 =	stileid.u32;
	s1 =	sand.u32 $0x10, s1  }
0x4: {  	s1 =	sor.u32 s0, s1  }
0x5: {  	s6 =	rddreg [dreg:$0x0];
	s4 =	simm.s32 $0x1;
	s2 =	sshll.u32 s1, $0x7  }
0x6: {  	s7 =	simm.s32 $0x2;
	s13 =	simm.s32 $0x0;
	s1 =	ssub.s32 $0x1000, s2  }
0x7: {  	s8 =	simm.s32 $0x18000;
	s12 =	simm.s32 $0x0;
	s3 =	sand.u32 $0xF80, s1  }
0x8: {  	s9 =	simm.s32 $0x0;
	s5 =	sshrl.u32 s1, $0xC;
	p0 =	sne.s32 s3, $0x0  }
.Ltmp0:
0x9: {  	s1 =	rddreg [dreg:$0x2];
	s4 =	simm.s32 @!p0 $0x0;
	(pc) =	sbr.rel .LBB1_1-.Ltmp0, $4  }
0xa: {  	s11 =	simm.s32 $0x0;
	s3 =	rddreg [dreg:$0x1];
	s5 =	sadd.s32 s4, s5  }
0xb: {  	_ =	strace $0x8000004A;
	s4 =	simm.s32 $0x1;
	s5 =	smul.u32 $0x18, s5  }
0xc: {  	s6 =	sadd.s32 $0xA00, s6;
	s10 =	smov.u32 s2;
	[sflag:s4] =	ssyncpa.u1 $0x0  }
0xd: {  	p0 =	por $0x0, $0x0;
	[sflag:s7] =	ssyncpa.u1 $0x0;
	s7 =	sor.u32 $0x1, s5  }
.LBB1_4:
0xe: {  	v5 =	vld [tilespmem:s16+$0xFFFFFFD0];
	[tilespmem:s17+$0x2040 ss:$0x81] =	vst.msk $0xffff, v3  }
0xf: {  	v58 =	vld [tilespmem:s16+$0xFFFFFFE0];
	[tilespmem:s17+$0x2850 ss:$0x81] =	vst.msk $0xffff, v4;
	s19 =	sshll.u32 s13, $0xC;
	s20 =	sshll.u32 s12, $0x3  }
0x10: {  	s18 =	sshra.s32 s18, $0x2;
	v59 =	vld [tilespmem:s16+$0xFFFFFFF0];
	[tilespmem:s17+$0x3060 ss:$0x81] =	vst.msk $0xffff, v2;
	s19 =	sand.u32 $0xFFFF8000, s19;
	s21 =	sand.u32 $0xFFFFFC00, s20  }
0x11: {  	[tilespmem:s17+$0x0 ss:$0x81] =	vst.msk $0xffff, v0;
	v60 =	vld [tilespmem:s16+$0x0];
	s15 =	sadd.s32 s18, s15;
	s25 =	sadd.s32 s21, s19  }
0x12: {  	v61 =	vld [tilespmem:s16+$0x10];
	[tilespmem:s15+$0x3870 ss:$0x81] =	vst.msk $0xffff, v1;
	s17 =	sshrl.u32 s25, $0xC  }
0x13: {  	v62 =	vld [tilespmem:s16+$0x20];
	s26 =	smulhi.u32 $0xAAAAAAB, s17;
	[tilespmem:s15+$0x810 ss:$0x81] =	vst.msk $0xffff, v5  }
0x14: {  	v63 =	vld [tilespmem:s16+$0xFFFFFFC0];
	s27 =	sand.u32 $0x78, s12;
	s28 =	sshll.u32 s13, $0x7;
	s29 =	sand.u32 $0xC00, s20;
	[tilespmem:s15+$0x1020 ss:$0x81] =	vst.msk $0xffff, v58  }
0x15: {  	s13 =	sand.u32 $0x380, s28;
	s16 =	sor.u32 s27, s29;
	[tilespmem:s15+$0x1830 ss:$0x81] =	vst.msk $0xffff, v59;
	s18 =	smul.u32 $0x18, s26  }
0x16: {  	s13 =	sor.u32 s13, s16;
	[tilespmem:s15+$0x2040 ss:$0x81] =	vst.msk $0xffff, v60  }
0x17: {  	s31 =	sand.u32 $0x7, s12;
	s13 =	sshrl.u32 s13, $0x3;
	[tilespmem:s15+$0x2850 ss:$0x81] =	vst.msk $0xffff, v61;
	s30 =	ssub.s32 s17, s18  }
0x18: {  	s12 =	sshll.u32 s31, $0x12;
	[tilespmem:s15+$0x3060 ss:$0x81] =	vst.msk $0xffff, v62;
	s13 =	sadd.s32 s3, s13;
	s16 =	sshll.u32 s30, $0x9  }
0x19: {  	s12 =	sor.u32 $0x80, s12;
	[tilespmem:s15+$0x0 ss:$0x81] =	vst.msk $0xffff, v63;
	s13 =	sadd.s32 s16, s13  }
0x1a: {  	[hbm4b:s13+s12] =	stream.strided.scatter [tilespmem:s14], [sflag:$0x2], $0x4000, s8, s12, $0x20;
	[tilespmem:$0x10100] =	vst v63  }
.LBB1_5:
0x1b: {  	s14 =	sadd.s32 $0x1, s9  }
0x1c: {  	s12 =	sadd.s32 $0x1000, s10;
	s16 =	smov.u32 s10;
	p2 =	sgt.s32 s14, $0x17  }
0x1d: {  	s16 =	smov.u32 @p2 s12  }
0x1e: {  	s14 =	simm.s32 @p2 $0x0;
	p2 =	sgt.s32 s16, $0xFFF  }
0x1f: {  	s16 =	smov.u32 @p2 s2;
	p2 =	sne.s32 s11, s7  }
.Ltmp1:
0x20: {  	p1 =	slt.u32 s11, $0x2;
	(pc) =	sbr.rel @!p2 .LBB1_6-.Ltmp1, $4  }
0x21: {  	s15 =	simm.s32 @!p1 $0x2  }
0x22: {  	s13 =	smov.u32 s9;
	p0 =	por !p0, !p0;
	_ =	swait.ge @!p1 [sflag:s15], $0x4000  }
0x23: {  	s12 =	smov.u32 s10;
	[sflag:s15] =	ssyncset.done @!p1 $0x0;
	s9 =	smov.u32 s14  }
0x24: {  	s11 =	sadd.s32 $0x1, s11;
	[sflag:s15] =	ssyncadd.s32 @!p1 $0xFFFFC000;
	s10 =	smov.u32 s16  }
.LBB1_1:
0x25: {  	p1 =	sge.u32 s11, s5  }
0x26: {  	s14 =	sand.u32 @!p1 $0x1FFFFFF, s9  }
0x27: {  	s15 =	smulhi.u32 @!p1 $0xAAAAAAB, s14;
	_ =	sdelay $0x1  }
0x28: {  	s15 =	smul.u32 @!p1 $0x18, s15  }
0x29: {  	s16 =	sxor.u32 @!p1 $0xFFFFFFFF, s11;
	s17 =	smul.u32 @!p1 $0x180, s10  }
0x2a: {  	s31 =	sadd.s32 $0xFFFFFFFF, s11;
	s16 =	sshll.u32 @!p1 s16, $0xE;
	s14 =	ssub.s32 @!p1 s14, s15  }
0x2b: {  	s15 =	sand.u32 @!p1 $0x4000, s16;
	s16 =	sadd.s32 @!p1 s6, s17;
	s14 =	sshll.u32 @!p1 s14, $0x4  }
0x2c: {  	s17 =	simm.s32 @!p1 $0xC00;
	s14 =	sadd.s32 @!p1 s14, s16;
	s16 =	simm.s32 @!p1 $0x80  }
0x2d: {  	[tilespmem:s15], [sflag:$0x1] =	stream.strided.gather @!p1 [hbm4b:s14+s16], $0x4000, s17, s16, $0x38;
	[tilespmem:$0x10100] =	vst v63  }
0x2e: {  	p1 =	sge.u32 s31, s5  }
.Ltmp2:
0x2f: {  	_ = 	snop;
	(pc) =	sbr.rel @p1 .LBB1_5-.Ltmp2, $1  }
0x30: {  	_ =	sdelay $0x3  }
0x31: {  	s14 =	simm.s32 $0x1  }
0x32: {  	_ =	swait.ge [sflag:s4], $0x4000;
	s14 =	simm.s32 @!p0 $0x0  }
0x33: {  	[sflag:s4] =	ssyncset.done $0x0;
	s15 =	sshll.u32 s14, $0xE  }
0x34: {  	[sflag:s4] =	ssyncadd.s32 $0xFFFFC000;
	s16 =	sor.u32 $0x40, s15  }
0x35: {  	s14 =	smul.u32 $0x10200, s14;
	v0 =	vld [tilespmem:s16+$0x30]  }
0x36: {  	v1 =	vld [tilespmem:s16+$0xFFFFFFD0]  }
0x37: {  	s14 =	sshrl.u32 s14, $0x2;
	v5 =	vld [tilespmem:s16+$0xFFFFFFE0]  }
0x38: {  	v6 =	vld [tilespmem:s16+$0xFFFFFFF0];
	s15 =	sor.u32 $0x8000, s14  }
0x39: {  	s31 =	sand.u32 $0x1, s11;
	v3 =	vld [tilespmem:s16+$0x0];
	s17 =	sadd.s32 $0x0, s15  }
0x3a: {  	v4 =	vld [tilespmem:s16+$0x10];
	s14 =	smul.u32 $0x10200, s31;
	[tilespmem:s17+$0x3870 ss:$0x81] =	vst.msk $0xffff, v0  }
0x3b: {  	v2 =	vld [tilespmem:s16+$0x20];
	[tilespmem:s17+$0x810 ss:$0x81] =	vst.msk $0xffff, v1  }
0x3c: {  	s14 =	sshrl.u32 s14, $0x2;
	v0 =	vld [tilespmem:s16+$0xFFFFFFC0];
	[tilespmem:s17+$0x1020 ss:$0x81] =	vst.msk $0xffff, v5;
	s16 =	sadd.s32 $0x80, s16  }
0x3d: {  	s18 =	simm.s32 $0x4;
	s19 =	simm.s32 $0x8;
	s14 =	sor.u32 $0x8000, s14;
	[tilespmem:s17+$0x1830 ss:$0x81] =	vst.msk $0xffff, v6;
	v1 =	vld [tilespmem:s16+$0x30]  }
.LBB1_3:
0x3e: {  	p1 =	sne.s32 s19, $0x1FC;
	v5 =	vld [tilespmem:s16+$0xFFFFFFD0];
	[tilespmem:s17+$0x2040 ss:$0x81] =	vst.msk $0xffff, v3  }
0x3f: {  	v6 =	vld [tilespmem:s16+$0xFFFFFFE0];
	[tilespmem:s17+$0x2850 ss:$0x81] =	vst.msk $0xffff, v4  }
0x40: {  	s20 =	sshra.s32 s18, $0x2;
	s18 =	smov.u32 s19;
	v7 =	vld [tilespmem:s16+$0xFFFFFFF0];
	[tilespmem:s17+$0x3060 ss:$0x81] =	vst.msk $0xffff, v2  }
.Ltmp3:
0x41: {  	v3 =	vld [tilespmem:s16+$0x0];
	[tilespmem:s17+$0x0 ss:$0x81] =	vst.msk $0xffff, v0;
	s17 =	sadd.s32 s20, s15;
	(pc) =	sbr.rel @p1 .LBB1_3-.Ltmp3, $4  }
0x42: {  	v4 =	vld [tilespmem:s16+$0x10];
	[tilespmem:s17+$0x3870 ss:$0x81] =	vst.msk $0xffff, v1  }
0x43: {  	[tilespmem:s17+$0x810 ss:$0x81] =	vst.msk $0xffff, v5;
	v2 =	vld [tilespmem:s16+$0x20]  }
0x44: {  	v0 =	vld [tilespmem:s16+$0xFFFFFFC0];
	[tilespmem:s17+$0x1020 ss:$0x81] =	vst.msk $0xffff, v6;
	s16 =	sadd.s32 $0x80, s16  }
0x45: {  	s19 =	sadd.s32 $0x4, s19;
	v1 =	vld [tilespmem:s16+$0x30];
	[tilespmem:s17+$0x1830 ss:$0x81] =	vst.msk $0xffff, v7  }
.Ltmp4:
0x46: {  	_ = 	snop;
	(pc) =	sbr.rel .LBB1_4-.Ltmp4, $1  }
0x47: {  	_ =	sdelay $0x3  }
.LBB1_6:
0x48: {  	_ =	sfence.sel $0x180000  }
0x49: {  	s2 =	simm.s32 $0x1;
	[bflag:$0x0] =	sbarrier.arrive $0xFFFF  }
0x4a: {  	s31 =	simm.s32 $0x2;
	[sflag:s2] =	ssyncpa.u1 $0x1  }
0x4b: {  	[sflag:s31] =	ssyncpa.u1 $0x1  }
0x4c: {  	p0 =	sne.s32 s0, $0x0;
	_ =	strace $0x9000004A  }
0x4d: {  	s0 =	sadd.s32 @!p0 $0x100000, s1;
	[bflag:$0x2] =	sbarrier.arrive $0xFFFF  }
0x4e: {  	[sflag:s0] =	ssyncadd.tile.s32 @!p0 $0x1;
	_ =	shalt  }
.Lfunc_end1:
_tile_overlayer_lowered:
.L_overlay_start_2:
0x4f: {  	(tag) =	ssettag $0x2  }
0x50: {  	s0 =	rddreg [dreg:$0x0];
	s2 =	stileid.u32  }
0x51: {  	s1 =	rddreg [dreg:$0x1];
	p0 =	sne.s32 s2, $0x0  }
0x52: {  	s3 =	rddreg [dreg:$0x2];
	[bflag:$0x3] =	sbarrier.arrive $0xFFFF;
	s2 =	simm.s32 @!p0 $0x1C01  }
0x53: {  	[timem:s3], [sflag:s2] =	dma.local @!p0 [hbm:s0], s1  }
0x54: {  	s0 =	simm.s32 @!p0 $0x1  }
0x55: {  	_ =	swait.ge @!p0 [sflag:s0], s1  }
0x56: {  	s1 =	ssub.s32 @!p0 $0x0, s1;
	[sflag:s0] =	ssyncset.done @!p0 $0x0  }
0x57: {  	[sflag:s0] =	ssyncadd.s32 @!p0 s1  }
0x58: {  	[bflag:$0x3] =	sbarrier.arrive $0xFFFF  }
0x59: {  	_ =	shalt  }

</sc_bundles>
